<compile_context>
chip_gen: v7x
topology: tpu7x:2x2x1
jax: 0.10.2.dev20260603
libtpu: 0.0.44.dev20260713+nightly
codegen_flags: <defaults>
</compile_context>

<pallas_src>
import functools

import jax
import jax.numpy as jnp
from jax import lax
from jax.experimental import pallas as pl
from jax.experimental.pallas import tpu as pltpu
from jax.experimental.pallas import tpu_sc as plsc

RADIUS2 = 0.1 * 0.1
GRID = 10
NCELLP = 1008
NSAMPLE = 32
LANES = 16

_DN = lax.GatherDimensionNumbers(
    offset_dims=(), collapsed_slice_dims=(0,), start_index_map=(0,))


def _rgather(v, idx):
    return lax.gather(v, idx[:, None], _DN, slice_sizes=(1,),
                      mode=lax.GatherScatterMode.PROMISE_IN_BOUNDS)


@functools.partial(jax.jit, static_argnums=(7, 8, 9))
def _ball_query(xs, ys, zs, qx, qy, qz, cells, B, M, N):
    NC, NS = 2, 16
    NW = NC * NS
    Q = B * M
    QPW = Q // NW
    BIG = N + 1
    mesh = plsc.VectorSubcoreMesh(core_axis_name="c", subcore_axis_name="s",
                                  num_cores=NC, num_subcores=NS)

    @functools.partial(
        pl.kernel,
        out_type=jax.ShapeDtypeStruct((Q * NSAMPLE,), jnp.int32),
        mesh=mesh,
        scratch_types=[
            pltpu.VMEM((N,), jnp.float32),
            pltpu.VMEM((N,), jnp.float32),
            pltpu.VMEM((N,), jnp.float32),
            pltpu.VMEM((QPW,), jnp.float32),
            pltpu.VMEM((QPW,), jnp.float32),
            pltpu.VMEM((QPW,), jnp.float32),
            pltpu.VMEM((N,), jnp.int32),
            pltpu.VMEM((NCELLP,), jnp.int32),
            pltpu.VMEM((NCELLP,), jnp.int32),
            pltpu.VMEM((NCELLP,), jnp.int32),
            pltpu.VMEM((NCELLP,), jnp.int32),
            pltpu.VMEM((N,), jnp.int32),
            pltpu.VMEM((N + LANES,), jnp.int32),
            pltpu.VMEM((QPW * NSAMPLE,), jnp.int32),
            pltpu.SemaphoreType.DMA,
        ],
        compiler_params=pltpu.CompilerParams(needs_layout_passes=False),
    )
    def body(xs_h, ys_h, zs_h, qx_h, qy_h, qz_h, cells_h, out_h,
             xv, yv, zv, qxv, qyv, qzv,
             cellv, histv, startsv, endsv, fillv, sortedv, candv, outv, sem):
        w = lax.axis_index("s") * NC + lax.axis_index("c")
        base_q = w * QPW
        b = base_q // M
        cps = [pltpu.make_async_copy(s, d, sem) for s, d in [
            (xs_h.at[pl.ds(b * N, N)], xv),
            (ys_h.at[pl.ds(b * N, N)], yv),
            (zs_h.at[pl.ds(b * N, N)], zv),
            (qx_h.at[pl.ds(base_q, QPW)], qxv),
            (qy_h.at[pl.ds(base_q, QPW)], qyv),
            (qz_h.at[pl.ds(base_q, QPW)], qzv),
            (cells_h.at[pl.ds(b * N, N)], cellv)]]
        for cp in cps:
            cp.start()
        for cp in cps:
            cp.wait()

        iota = lax.iota(jnp.int32, LANES)
        czero = jnp.minimum(iota, 0)
        ones = czero + 1

        def zero_chunk(i, _):
            histv[pl.ds(i * LANES, LANES)] = czero
            return 0

        lax.fori_loop(0, NCELLP // LANES, zero_chunk, 0)

        def hist_chunk(i, _):
            c = cellv[pl.ds(i * LANES, LANES)]
            plsc.addupdate_scatter(histv, [c], ones)
            return 0

        lax.fori_loop(0, N // LANES, hist_chunk, 0)

        def prefix_chunk(i, carry):
            h = histv[pl.ds(i * LANES, LANES)]
            incl = plsc.cumsum(h) + carry
            endsv[pl.ds(i * LANES, LANES)] = incl
            startsv[pl.ds(i * LANES, LANES)] = incl - h
            fillv[pl.ds(i * LANES, LANES)] = incl - h
            return _rgather(incl, czero + (LANES - 1))

        lax.fori_loop(0, NCELLP // LANES, prefix_chunk, czero)

        def sort_chunk(i, _):
            c = cellv[pl.ds(i * LANES, LANES)]
            r, _ = plsc.scan_count(c)
            f = plsc.load_gather(fillv, [c])
            plsc.store_scatter(sortedv, [f + r - 1], iota + i * LANES)
            plsc.store_scatter(fillv, [c], f + r)
            return 0

        lax.fori_loop(0, N // LANES, sort_chunk, 0)

        def do_query(q, _):
            qi = jnp.full((LANES,), q, jnp.int32)
            qxs = plsc.load_gather(qxv, [qi])
            qys = plsc.load_gather(qyv, [qi])
            qzs = plsc.load_gather(qzv, [qi])
            cxs = (qxs * GRID).astype(jnp.int32)
            cys = (qys * GRID).astype(jnp.int32)
            czs = (qzs * GRID).astype(jnp.int32)

            div3 = ((iota >= 3).astype(jnp.int32)
                    + (iota >= 6).astype(jnp.int32))
            dx = div3 - 1
            dy = iota - 3 * div3 - 1
            ccx = cxs + dx
            ccy = cys + dy
            inb = ((ccx >= 0) & (ccx < GRID) & (ccy >= 0) & (ccy < GRID)
                   & (iota < 9))
            r2eps = RADIUS2 + 1e-6
            cw = 1.0 / GRID
            ccxf = ccx.astype(jnp.float32) * cw
            ccyf = ccy.astype(jnp.float32) * cw
            zero_f = czero.astype(jnp.float32)
            fx = jnp.maximum(jnp.maximum(ccxf - qxs, qxs - ccxf - cw), zero_f)
            fy = jnp.maximum(jnp.maximum(ccyf - qys, qys - ccyf - cw), zero_f)
            cold2 = fx * fx + fy * fy
            inb = inb & (cold2 < r2eps)
            czf = czs.astype(jnp.float32) * cw
            fzlo = qzs - czf
            fzhi = czf + cw - qzs
            reach_lo = ((cold2 + fzlo * fzlo < r2eps) & (czs > 0))
            reach_hi = ((cold2 + fzhi * fzhi < r2eps) & (czs < GRID - 1))
            zlo = czs - reach_lo.astype(jnp.int32)
            zhi = czs + reach_hi.astype(jnp.int32)
            cbase = (ccx * GRID + ccy) * GRID
            c0 = jnp.where(inb, cbase + zlo, 0)
            c1 = jnp.where(inb, cbase + zhi, 0)
            seg_start = plsc.load_gather(startsv, [c0])
            seg_end = plsc.load_gather(endsv, [c1])
            seg_len = jnp.where(inb, seg_end - seg_start, czero)
            prefix = plsc.cumsum(seg_len)
            excl = prefix - seg_len
            total = _rgather(prefix, czero + (LANES - 1))
            total_s = jnp.max(prefix)
            pre_spl = [_rgather(prefix, czero + i) for i in range(9)]

            def probe(tl):
                j = czero
                for ps in pre_spl:
                    j = j + (ps <= tl).astype(jnp.int32)
                src = _rgather(seg_start, j) + tl - _rgather(excl, j)
                msk = tl < total
                p = plsc.load_gather(sortedv, [jnp.where(msk, src, czero)])
                px = plsc.load_gather(xv, [p])
                py = plsc.load_gather(yv, [p])
                pz = plsc.load_gather(zv, [p])
                ddx = px - qxs
                ddy = py - qys
                ddz = pz - qzs
                d2 = ddx * ddx + ddy * ddy + ddz * ddz
                return p, (d2 < RADIUS2) & msk

            def cand_chunk(t, cntv):
                tl = t * (2 * LANES) + iota
                pa, va = probe(tl)
                pb, vb = probe(tl + LANES)
                ra = plsc.cumsum(va.astype(jnp.int32))
                plsc.store_scatter(candv, [cntv + ra - 1], pa, mask=va)
                ca = cntv + plsc.all_reduce_population_count(va)
                rb = plsc.cumsum(vb.astype(jnp.int32))
                plsc.store_scatter(candv, [ca + rb - 1], pb, mask=vb)
                return ca + plsc.all_reduce_population_count(vb)

            nchunks = (total_s + (2 * LANES - 1)) // (2 * LANES)
            cntv = lax.fori_loop(0, nchunks, cand_chunk, czero)

            cnt_s = jnp.max(cntv)

            def clean(v):
                for k in (8, 4, 2, 1):
                    pr = _rgather(v, iota ^ k)
                    v = jnp.where((iota & k) == 0, jnp.minimum(v, pr),
                                  jnp.maximum(v, pr))
                return v

            def merge16(a, bb):
                br = _rgather(bb, (LANES - 1) - iota)
                return clean(jnp.minimum(a, br)), clean(jnp.maximum(a, br))

            def masked_chunk(k):
                C = candv[pl.ds(k * LANES, LANES)]
                C = jnp.where(k * LANES + iota < cntv, C, czero + BIG)
                Cs, _ = plsc.sort_key_val(C, C)
                return Cs

            def sort_merge(k, R):
                R0, R1 = R
                lo1, _ = merge16(R1, masked_chunk(k))
                return merge16(R0, lo1)

            big = czero + BIG
            R0 = masked_chunk(0)
            ncc = (cnt_s + (LANES - 1)) // LANES
            R0, R1 = lax.fori_loop(1, ncc, sort_merge, (R0, big))

            first = _rgather(R0, jnp.minimum(cntv, 0))
            out0 = jnp.where(iota < cntv, R0, first)
            out1 = jnp.where(iota + LANES < cntv, R1, first)
            outv[pl.ds(q * NSAMPLE, LANES)] = out0
            outv[pl.ds(q * NSAMPLE + LANES, LANES)] = out1
            return 0

        lax.fori_loop(0, QPW, do_query, 0)
        pltpu.sync_copy(outv, out_h.at[pl.ds(base_q * NSAMPLE, QPW * NSAMPLE)])

    return body(xs, ys, zs, qx, qy, qz, cells)


def kernel(xyz, new_xyz):
    B, M, _ = new_xyz.shape
    N = xyz.shape[1]
    cellc = (xyz * GRID).astype(jnp.int32)
    cells = ((cellc[..., 0] * GRID + cellc[..., 1]) * GRID
             + cellc[..., 2]).reshape(-1)
    xs = xyz[..., 0].reshape(-1)
    ys = xyz[..., 1].reshape(-1)
    zs = xyz[..., 2].reshape(-1)
    qx = new_xyz[..., 0].reshape(-1)
    qy = new_xyz[..., 1].reshape(-1)
    qz = new_xyz[..., 2].reshape(-1)
    out = _ball_query(xs, ys, zs, qx, qy, qz, cells, B, M, N)
    return out.reshape(B, M, NSAMPLE)

# --- scband reference (transcript-rebuilt; emitter-appended) ---
"""Pipeline reference for scband-ball-query-3315714753180 (READ-ONLY COPY).

The authoritative reference and input builder live on the scoring server;
editing this copy changes nothing except your own understanding.
"""

import jax, jax.numpy as jnp
import numpy as np

RADIUS = 0.1
NSAMPLE = 32


def setup_inputs(seed: int = 0) -> dict:
    key = jax.random.key(seed)
    k1, k2 = jax.random.split(key)
    xyz = jax.random.uniform(k1, (4, 4096, 3), dtype=jnp.float32)
    new_xyz = jax.random.uniform(k2, (4, 1024, 3), dtype=jnp.float32)
    return {"xyz": xyz, "new_xyz": new_xyz}


def reference(xyz, new_xyz):
    # Faithful translation of query_ball_point_vectorized
    B, M, _ = new_xyz.shape
    N = xyz.shape[1]
    diff = new_xyz[:, :, None, :] - xyz[:, None, :, :]          # (B, M, N, 3)
    dist2 = jnp.sum(diff ** 2, axis=-1)                          # (B, M, N)
    radius2 = RADIUS * RADIUS
    mask = dist2 < radius2
    arange_n = jnp.broadcast_to(jnp.arange(N, dtype=jnp.int64 if jax.config.read('jax_enable_x64') else jnp.int32)[None, None, :], (B, M, N))
    arange_n_masked = jnp.where(mask, arange_n, jnp.full_like(arange_n, N + 1))
    sorted_indices = jnp.sort(arange_n_masked, axis=2)           # (B, M, N)
    first_nsample = sorted_indices[:, :, :NSAMPLE]               # (B, M, nsample)
    invalid_mask = first_nsample >= N
    first_valid = jnp.broadcast_to(first_nsample[:, :, 0:1], first_nsample.shape)
    idx = jnp.where(invalid_mask, first_valid, first_nsample)
    return idx

if __name__ == "__main__":
    import jax
    _d = setup_inputs()
    print(jax.jit(kernel)(*tuple(_d.values())))

</pallas_src>

<mosaic_0001>
#map = affine_map<(d0, d1) -> (0)>
module attributes {stable_mosaic.version = 14 : i64} {
  func.func @body(%arg0: i32, %arg1: i32, %arg2: memref<16384xf32, #tpu.memory_space<hbm>>, %arg3: memref<16384xf32, #tpu.memory_space<hbm>>, %arg4: memref<16384xf32, #tpu.memory_space<hbm>>, %arg5: memref<4096xf32, #tpu.memory_space<hbm>>, %arg6: memref<4096xf32, #tpu.memory_space<hbm>>, %arg7: memref<4096xf32, #tpu.memory_space<hbm>>, %arg8: memref<16384xi32, #tpu.memory_space<hbm>>, %arg9: memref<131072xi32, #tpu.memory_space<hbm>>, %arg10: memref<4096xf32, #tpu.memory_space<vmem>>, %arg11: memref<4096xf32, #tpu.memory_space<vmem>>, %arg12: memref<4096xf32, #tpu.memory_space<vmem>>, %arg13: memref<128xf32, #tpu.memory_space<vmem>>, %arg14: memref<128xf32, #tpu.memory_space<vmem>>, %arg15: memref<128xf32, #tpu.memory_space<vmem>>, %arg16: memref<4096xi32, #tpu.memory_space<vmem>>, %arg17: memref<1008xi32, #tpu.memory_space<vmem>>, %arg18: memref<1008xi32, #tpu.memory_space<vmem>>, %arg19: memref<1008xi32, #tpu.memory_space<vmem>>, %arg20: memref<1008xi32, #tpu.memory_space<vmem>>, %arg21: memref<4096xi32, #tpu.memory_space<vmem>>, %arg22: memref<4112xi32, #tpu.memory_space<vmem>>, %arg23: memref<4096xi32, #tpu.memory_space<vmem>>, %arg24: memref<!tpu.dma_semaphore, #tpu.memory_space<semaphore_mem>>) attributes {dimension_semantics = [#tpu.dimension_semantics<core_parallel>, #tpu.dimension_semantics<subcore_parallel>], iteration_bounds = array<i64: 2, 16>, scalar_prefetch = 0 : i64, scratch_operands = 15 : i64, tpu.core_type = #tpu.core_type<sc_vector_subcore>, window_params = [{transform_indices = #map}, {transform_indices = #map}, {transform_indices = #map}, {transform_indices = #map}, {transform_indices = #map}, {transform_indices = #map}, {transform_indices = #map}, {transform_indices = #map}]} {
    %mul3A = arith.constant 2 : i32
    %mul3A_0 = arith.muli %arg1, %mul3A : i32
    %add3A = arith.addi %mul3A_0, %arg0 : i32
    %mul3A_1 = arith.constant 128 : i32
    %mul3A_2 = arith.muli %add3A, %mul3A_1 : i32
    %jit3A = arith.constant 1024 : i32
    %div3A = arith.divsi %mul3A_2, %jit3A : i32
    %sign3A = arith.constant 0 : i32
    %sign3A_3 = arith.cmpi sgt, %mul3A_2, %sign3A : i32
    %sign3A_4 = arith.extui %sign3A_3 : i1 to i32
    %sign3A_5 = arith.constant 0 : i32
    %sign3A_6 = arith.cmpi slt, %mul3A_2, %sign3A_5 : i32
    %sign3A_7 = arith.extui %sign3A_6 : i1 to i32
    %sign3A_8 = arith.subi %sign3A_4, %sign3A_7 : i32
    %sign3A_9 = arith.constant 0 : i32
    %sign3A_10 = arith.cmpi sgt, %jit3A, %sign3A_9 : i32
    %sign3A_11 = arith.extui %sign3A_10 : i1 to i32
    %sign3A_12 = arith.constant 0 : i32
    %sign3A_13 = arith.cmpi slt, %jit3A, %sign3A_12 : i32
    %sign3A_14 = arith.extui %sign3A_13 : i1 to i32
    %sign3A_15 = arith.subi %sign3A_11, %sign3A_14 : i32
    %ne3A = arith.cmpi ne, %sign3A_8, %sign3A_15 : i32
    %rem3A = arith.remsi %mul3A_2, %jit3A : i32
    %ne3A_16 = arith.constant 0 : i32
    %ne3A_17 = arith.cmpi ne, %rem3A, %ne3A_16 : i32
    %and3A = arith.andi %ne3A, %ne3A_17 : i1
    %sub3A = arith.constant 1 : i32
    %sub3A_18 = arith.subi %div3A, %sub3A : i32
    %select_n3A = arith.select %and3A, %sub3A_18, %div3A : i32
    %mul3A_19 = arith.constant 4096 : i32
    %mul3A_20 = arith.muli %select_n3A, %mul3A_19 : i32
    %mul3A_21 = arith.constant 4096 : i32
    %mul3A_22 = arith.muli %select_n3A, %mul3A_21 : i32
    %mul3A_23 = arith.constant 4096 : i32
    %mul3A_24 = arith.muli %select_n3A, %mul3A_23 : i32
    %mul3A_25 = arith.constant 4096 : i32
    %mul3A_26 = arith.muli %select_n3A, %mul3A_25 : i32
    %dma_start3A = tpu.memref_slice %arg2[%mul3A_20] : memref<16384xf32, #tpu.memory_space<hbm>> -> memref<4096xf32, #tpu.memory_space<hbm>>
    %dma_start3A_27 = tpu.memref_slice %arg2[%mul3A_20] : memref<16384xf32, #tpu.memory_space<hbm>> -> memref<4096xf32, #tpu.memory_space<hbm>>
    tpu.enqueue_dma source(%dma_start3A_27 : memref<4096xf32, #tpu.memory_space<hbm>>) target(%arg10 : memref<4096xf32, #tpu.memory_space<vmem>>) target_semaphore(%arg24 : memref<!tpu.dma_semaphore, #tpu.memory_space<semaphore_mem>>)
    %dma_start3A_28 = tpu.memref_slice %arg3[%mul3A_22] : memref<16384xf32, #tpu.memory_space<hbm>> -> memref<4096xf32, #tpu.memory_space<hbm>>
    %dma_start3A_29 = tpu.memref_slice %arg3[%mul3A_22] : memref<16384xf32, #tpu.memory_space<hbm>> -> memref<4096xf32, #tpu.memory_space<hbm>>
    tpu.enqueue_dma source(%dma_start3A_29 : memref<4096xf32, #tpu.memory_space<hbm>>) target(%arg11 : memref<4096xf32, #tpu.memory_space<vmem>>) target_semaphore(%arg24 : memref<!tpu.dma_semaphore, #tpu.memory_space<semaphore_mem>>)
    %dma_start3A_30 = tpu.memref_slice %arg4[%mul3A_24] : memref<16384xf32, #tpu.memory_space<hbm>> -> memref<4096xf32, #tpu.memory_space<hbm>>
    %dma_start3A_31 = tpu.memref_slice %arg4[%mul3A_24] : memref<16384xf32, #tpu.memory_space<hbm>> -> memref<4096xf32, #tpu.memory_space<hbm>>
    tpu.enqueue_dma source(%dma_start3A_31 : memref<4096xf32, #tpu.memory_space<hbm>>) target(%arg12 : memref<4096xf32, #tpu.memory_space<vmem>>) target_semaphore(%arg24 : memref<!tpu.dma_semaphore, #tpu.memory_space<semaphore_mem>>)
    %dma_start3A_32 = tpu.memref_slice %arg5[%mul3A_2] : memref<4096xf32, #tpu.memory_space<hbm>> -> memref<128xf32, #tpu.memory_space<hbm>>
    %dma_start3A_33 = tpu.memref_slice %arg5[%mul3A_2] : memref<4096xf32, #tpu.memory_space<hbm>> -> memref<128xf32, #tpu.memory_space<hbm>>
    tpu.enqueue_dma source(%dma_start3A_33 : memref<128xf32, #tpu.memory_space<hbm>>) target(%arg13 : memref<128xf32, #tpu.memory_space<vmem>>) target_semaphore(%arg24 : memref<!tpu.dma_semaphore, #tpu.memory_space<semaphore_mem>>)
    %dma_start3A_34 = tpu.memref_slice %arg6[%mul3A_2] : memref<4096xf32, #tpu.memory_space<hbm>> -> memref<128xf32, #tpu.memory_space<hbm>>
    %dma_start3A_35 = tpu.memref_slice %arg6[%mul3A_2] : memref<4096xf32, #tpu.memory_space<hbm>> -> memref<128xf32, #tpu.memory_space<hbm>>
    tpu.enqueue_dma source(%dma_start3A_35 : memref<128xf32, #tpu.memory_space<hbm>>) target(%arg14 : memref<128xf32, #tpu.memory_space<vmem>>) target_semaphore(%arg24 : memref<!tpu.dma_semaphore, #tpu.memory_space<semaphore_mem>>)
    %dma_start3A_36 = tpu.memref_slice %arg7[%mul3A_2] : memref<4096xf32, #tpu.memory_space<hbm>> -> memref<128xf32, #tpu.memory_space<hbm>>
    %dma_start3A_37 = tpu.memref_slice %arg7[%mul3A_2] : memref<4096xf32, #tpu.memory_space<hbm>> -> memref<128xf32, #tpu.memory_space<hbm>>
    tpu.enqueue_dma source(%dma_start3A_37 : memref<128xf32, #tpu.memory_space<hbm>>) target(%arg15 : memref<128xf32, #tpu.memory_space<vmem>>) target_semaphore(%arg24 : memref<!tpu.dma_semaphore, #tpu.memory_space<semaphore_mem>>)
    %dma_start3A_38 = tpu.memref_slice %arg8[%mul3A_26] : memref<16384xi32, #tpu.memory_space<hbm>> -> memref<4096xi32, #tpu.memory_space<hbm>>
    %dma_start3A_39 = tpu.memref_slice %arg8[%mul3A_26] : memref<16384xi32, #tpu.memory_space<hbm>> -> memref<4096xi32, #tpu.memory_space<hbm>>
    tpu.enqueue_dma source(%dma_start3A_39 : memref<4096xi32, #tpu.memory_space<hbm>>) target(%arg16 : memref<4096xi32, #tpu.memory_space<vmem>>) target_semaphore(%arg24 : memref<!tpu.dma_semaphore, #tpu.memory_space<semaphore_mem>>)
    %dma_wait3A = tpu.memref_slice %arg2[%mul3A_20] : memref<16384xf32, #tpu.memory_space<hbm>> -> memref<4096xf32, #tpu.memory_space<hbm>>
    %dma_wait3A_40 = tpu.memref_slice %arg2[%mul3A_20] : memref<16384xf32, #tpu.memory_space<hbm>> -> memref<4096xf32, #tpu.memory_space<hbm>>
    tpu.wait_dma2 semaphore(%arg24 : memref<!tpu.dma_semaphore, #tpu.memory_space<semaphore_mem>>) src(%dma_wait3A_40 : memref<4096xf32, #tpu.memory_space<hbm>>) dst(%arg10 : memref<4096xf32, #tpu.memory_space<vmem>>)
    %dma_wait3A_41 = tpu.memref_slice %arg3[%mul3A_22] : memref<16384xf32, #tpu.memory_space<hbm>> -> memref<4096xf32, #tpu.memory_space<hbm>>
    %dma_wait3A_42 = tpu.memref_slice %arg3[%mul3A_22] : memref<16384xf32, #tpu.memory_space<hbm>> -> memref<4096xf32, #tpu.memory_space<hbm>>
    tpu.wait_dma2 semaphore(%arg24 : memref<!tpu.dma_semaphore, #tpu.memory_space<semaphore_mem>>) src(%dma_wait3A_42 : memref<4096xf32, #tpu.memory_space<hbm>>) dst(%arg11 : memref<4096xf32, #tpu.memory_space<vmem>>)
    %dma_wait3A_43 = tpu.memref_slice %arg4[%mul3A_24] : memref<16384xf32, #tpu.memory_space<hbm>> -> memref<4096xf32, #tpu.memory_space<hbm>>
    %dma_wait3A_44 = tpu.memref_slice %arg4[%mul3A_24] : memref<16384xf32, #tpu.memory_space<hbm>> -> memref<4096xf32, #tpu.memory_space<hbm>>
    tpu.wait_dma2 semaphore(%arg24 : memref<!tpu.dma_semaphore, #tpu.memory_space<semaphore_mem>>) src(%dma_wait3A_44 : memref<4096xf32, #tpu.memory_space<hbm>>) dst(%arg12 : memref<4096xf32, #tpu.memory_space<vmem>>)
    %dma_wait3A_45 = tpu.memref_slice %arg5[%mul3A_2] : memref<4096xf32, #tpu.memory_space<hbm>> -> memref<128xf32, #tpu.memory_space<hbm>>
    %dma_wait3A_46 = tpu.memref_slice %arg5[%mul3A_2] : memref<4096xf32, #tpu.memory_space<hbm>> -> memref<128xf32, #tpu.memory_space<hbm>>
    tpu.wait_dma2 semaphore(%arg24 : memref<!tpu.dma_semaphore, #tpu.memory_space<semaphore_mem>>) src(%dma_wait3A_46 : memref<128xf32, #tpu.memory_space<hbm>>) dst(%arg13 : memref<128xf32, #tpu.memory_space<vmem>>)
    %dma_wait3A_47 = tpu.memref_slice %arg6[%mul3A_2] : memref<4096xf32, #tpu.memory_space<hbm>> -> memref<128xf32, #tpu.memory_space<hbm>>
    %dma_wait3A_48 = tpu.memref_slice %arg6[%mul3A_2] : memref<4096xf32, #tpu.memory_space<hbm>> -> memref<128xf32, #tpu.memory_space<hbm>>
    tpu.wait_dma2 semaphore(%arg24 : memref<!tpu.dma_semaphore, #tpu.memory_space<semaphore_mem>>) src(%dma_wait3A_48 : memref<128xf32, #tpu.memory_space<hbm>>) dst(%arg14 : memref<128xf32, #tpu.memory_space<vmem>>)
    %dma_wait3A_49 = tpu.memref_slice %arg7[%mul3A_2] : memref<4096xf32, #tpu.memory_space<hbm>> -> memref<128xf32, #tpu.memory_space<hbm>>
    %dma_wait3A_50 = tpu.memref_slice %arg7[%mul3A_2] : memref<4096xf32, #tpu.memory_space<hbm>> -> memref<128xf32, #tpu.memory_space<hbm>>
    tpu.wait_dma2 semaphore(%arg24 : memref<!tpu.dma_semaphore, #tpu.memory_space<semaphore_mem>>) src(%dma_wait3A_50 : memref<128xf32, #tpu.memory_space<hbm>>) dst(%arg15 : memref<128xf32, #tpu.memory_space<vmem>>)
    %dma_wait3A_51 = tpu.memref_slice %arg8[%mul3A_26] : memref<16384xi32, #tpu.memory_space<hbm>> -> memref<4096xi32, #tpu.memory_space<hbm>>
    %dma_wait3A_52 = tpu.memref_slice %arg8[%mul3A_26] : memref<16384xi32, #tpu.memory_space<hbm>> -> memref<4096xi32, #tpu.memory_space<hbm>>
    tpu.wait_dma2 semaphore(%arg24 : memref<!tpu.dma_semaphore, #tpu.memory_space<semaphore_mem>>) src(%dma_wait3A_52 : memref<4096xi32, #tpu.memory_space<hbm>>) dst(%arg16 : memref<4096xi32, #tpu.memory_space<vmem>>)
    %iota3A = tpu.iota {dimensions = array<i32: 0>} : vector<16xi32>
    %min3A = arith.constant 0 : i32
    %min3A_53 = vector.broadcast %min3A : i32 to vector<16xi32>
    %min3A_54 = arith.minsi %iota3A, %min3A_53 : vector<16xi32>
    %add3A_55 = arith.constant 1 : i32
    %add3A_56 = vector.broadcast %add3A_55 : i32 to vector<16xi32>
    %add3A_57 = arith.addi %min3A_54, %add3A_56 : vector<16xi32>
    %scan3A = arith.constant 0 : i32
    %scan3A_58 = arith.constant 0 : i32
    %scan3A_59 = arith.constant 63 : i32
    %scan3A_60 = arith.addi %scan3A_58, %scan3A_59 : i32
    %scan3A_61 = arith.constant 1 : i32
    %scan3A_62 = scf.for %scan3A_93 = %scan3A_58 to %scan3A_60 step %scan3A_61 iter_args(%scan3A_94 = %scan3A) -> (i32)  : i32 {
      %mul3A_95 = arith.constant 16 : i32
      %mul3A_96 = arith.muli %scan3A_93, %mul3A_95 : i32
      %swap3A = arith.index_cast %mul3A_96 : i32 to index
      %swap3A_97 = tpu.vector_load %arg17[%swap3A] {strides = array<i32>} : memref<1008xi32, #tpu.memory_space<vmem>>, vector<16xi32>,
      tpu.vector_store %arg17[%swap3A], %min3A_54 {strides = array<i32>} : memref<1008xi32, #tpu.memory_space<vmem>>, vector<16xi32>,
      %scan3A_98 = arith.constant 0 : i32
      scf.yield %scan3A_98 : i32
    }
    %scan3A_63 = arith.constant 63 : i32
    %scan3A_64 = arith.constant 0 : i32
    %scan3A_65 = arith.constant 0 : i32
    %scan3A_66 = arith.constant 256 : i32
    %scan3A_67 = arith.addi %scan3A_65, %scan3A_66 : i32
    %scan3A_68 = arith.constant 1 : i32
    %scan3A_69 = scf.for %scan3A_93 = %scan3A_65 to %scan3A_67 step %scan3A_68 iter_args(%scan3A_94 = %scan3A_64) -> (i32)  : i32 {
      %mul3A_95 = arith.constant 16 : i32
      %mul3A_96 = arith.muli %scan3A_93, %mul3A_95 : i32
      %get3A = arith.index_cast %mul3A_96 : i32 to index
      %get3A_97 = tpu.vector_load %arg16[%get3A] {strides = array<i32>} : memref<4096xi32, #tpu.memory_space<vmem>>, vector<16xi32>,
      tpu.vector_store_idx %arg17[%get3A_97], %add3A_57 {add = true} : memref<1008xi32, #tpu.memory_space<vmem>>[vector<16xi32>], vector<16xi32>,
      %scan3A_98 = arith.constant 0 : i32
      scf.yield %scan3A_98 : i32
    }
    %scan3A_70 = arith.constant 256 : i32
    %scan3A_71 = arith.constant 0 : i32
    %scan3A_72 = arith.constant 63 : i32
    %scan3A_73 = arith.addi %scan3A_71, %scan3A_72 : i32
    %scan3A_74 = arith.constant 1 : i32
    %scan3A_75 = scf.for %scan3A_93 = %scan3A_71 to %scan3A_73 step %scan3A_74 iter_args(%scan3A_94 = %min3A_54) -> (vector<16xi32>)  : i32 {
      %mul3A_95 = arith.constant 16 : i32
      %mul3A_96 = arith.muli %scan3A_93, %mul3A_95 : i32
      %get3A = arith.index_cast %mul3A_96 : i32 to index
      %get3A_97 = tpu.vector_load %arg17[%get3A] {strides = array<i32>} : memref<1008xi32, #tpu.memory_space<vmem>>, vector<16xi32>,
      %broadcast_in_dim3A = arith.constant true
      %broadcast_in_dim3A_98 = vector.broadcast %broadcast_in_dim3A : i1 to vector<16xi1>
      %masked_cumsum3A = tpu.scan <sum>, %get3A_97 masked %broadcast_in_dim3A_98 : vector<16xi32>, vector<16xi1> -> vector<16xi32>
      %add3A_99 = arith.addi %masked_cumsum3A, %scan3A_94 : vector<16xi32>
      %mul3A_100 = arith.constant 16 : i32
      %mul3A_101 = arith.muli %scan3A_93, %mul3A_100 : i32
      %swap3A = arith.index_cast %mul3A_101 : i32 to index
      %swap3A_102 = tpu.vector_load %arg19[%swap3A] {strides = array<i32>} : memref<1008xi32, #tpu.memory_space<vmem>>, vector<16xi32>,
      tpu.vector_store %arg19[%swap3A], %add3A_99 {strides = array<i32>} : memref<1008xi32, #tpu.memory_space<vmem>>, vector<16xi32>,
      %sub3A_103 = arith.subi %add3A_99, %get3A_97 : vector<16xi32>
      %mul3A_104 = arith.constant 16 : i32
      %mul3A_105 = arith.muli %scan3A_93, %mul3A_104 : i32
      %swap3A_106 = arith.index_cast %mul3A_105 : i32 to index
      %swap3A_107 = tpu.vector_load %arg18[%swap3A_106] {strides = array<i32>} : memref<1008xi32, #tpu.memory_space<vmem>>, vector<16xi32>,
      tpu.vector_store %arg18[%swap3A_106], %sub3A_103 {strides = array<i32>} : memref<1008xi32, #tpu.memory_space<vmem>>, vector<16xi32>,
      %sub3A_108 = arith.subi %add3A_99, %get3A_97 : vector<16xi32>
      %mul3A_109 = arith.constant 16 : i32
      %mul3A_110 = arith.muli %scan3A_93, %mul3A_109 : i32
      %swap3A_111 = arith.index_cast %mul3A_110 : i32 to index
      %swap3A_112 = tpu.vector_load %arg20[%swap3A_111] {strides = array<i32>} : memref<1008xi32, #tpu.memory_space<vmem>>, vector<16xi32>,
      tpu.vector_store %arg20[%swap3A_111], %sub3A_108 {strides = array<i32>} : memref<1008xi32, #tpu.memory_space<vmem>>, vector<16xi32>,
      %add3A_113 = arith.constant 15 : i32
      %add3A_114 = vector.broadcast %add3A_113 : i32 to vector<16xi32>
      %add3A_115 = arith.addi %min3A_54, %add3A_114 : vector<16xi32>
      %broadcast_in_dim3A_116 = vector.shape_cast %add3A_115 : vector<16xi32> to vector<16x1xi32>
      %gather3A = vector.shape_cast %broadcast_in_dim3A_116 : vector<16x1xi32> to vector<16xi32>
      %gather3A_117 = tpu.dynamic_gather %add3A_99[%gather3A] in [0] : vector<16xi32>, vector<16xi32> -> vector<16xi32>
      scf.yield %gather3A_117 : vector<16xi32>
    }
    %scan3A_76 = arith.constant 63 : i32
    %scan3A_77 = arith.constant 0 : i32
    %scan3A_78 = arith.constant 0 : i32
    %scan3A_79 = arith.constant 256 : i32
    %scan3A_80 = arith.addi %scan3A_78, %scan3A_79 : i32
    %scan3A_81 = arith.constant 1 : i32
    %scan3A_82 = scf.for %scan3A_93 = %scan3A_78 to %scan3A_80 step %scan3A_81 iter_args(%scan3A_94 = %scan3A_77) -> (i32)  : i32 {
      %mul3A_95 = arith.constant 16 : i32
      %mul3A_96 = arith.muli %scan3A_93, %mul3A_95 : i32
      %get3A = arith.index_cast %mul3A_96 : i32 to index
      %get3A_97 = tpu.vector_load %arg16[%get3A] {strides = array<i32>} : memref<4096xi32, #tpu.memory_space<vmem>>, vector<16xi32>,
      %broadcast_in_dim3A = arith.constant true
      %broadcast_in_dim3A_98 = vector.broadcast %broadcast_in_dim3A : i1 to vector<16xi1>
      %unique3A, %unique3A_99 = tpu.scan_count mask(%broadcast_in_dim3A_98 : vector<16xi1>) value(%get3A_97 : vector<16xi32>) : vector<16xi1>, vector<16xi32>
      %gather3A = tpu.vector_load_idx %arg20[%get3A_97] : memref<1008xi32, #tpu.memory_space<vmem>>[vector<16xi32>], vector<16xi32>,
      %add3A_100 = arith.addi %gather3A, %unique3A_99 : vector<16xi32>
      %sub3A_101 = arith.constant 1 : i32
      %sub3A_102 = vector.broadcast %sub3A_101 : i32 to vector<16xi32>
      %sub3A_103 = arith.subi %add3A_100, %sub3A_102 : vector<16xi32>
      %mul3A_104 = arith.constant 16 : i32
      %mul3A_105 = arith.muli %scan3A_93, %mul3A_104 : i32
      %add3A_106 = vector.broadcast %mul3A_105 : i32 to vector<16xi32>
      %add3A_107 = arith.addi %iota3A, %add3A_106 : vector<16xi32>
      tpu.vector_store_idx %arg21[%sub3A_103], %add3A_107 : memref<4096xi32, #tpu.memory_space<vmem>>[vector<16xi32>], vector<16xi32>,
      %add3A_108 = arith.addi %gather3A, %unique3A_99 : vector<16xi32>
      tpu.vector_store_idx %arg20[%get3A_97], %add3A_108 : memref<1008xi32, #tpu.memory_space<vmem>>[vector<16xi32>], vector<16xi32>,
      %scan3A_109 = arith.constant 0 : i32
      scf.yield %scan3A_109 : i32
    }
    %scan3A_83 = arith.constant 256 : i32
    %scan3A_84 = arith.constant 0 : i32
    %scan3A_85 = arith.constant 0 : i32
    %scan3A_86 = arith.constant 128 : i32
    %scan3A_87 = arith.addi %scan3A_85, %scan3A_86 : i32
    %scan3A_88 = arith.constant 1 : i32
    %scan3A_89 = scf.for %scan3A_93 = %scan3A_85 to %scan3A_87 step %scan3A_88 iter_args(%scan3A_94 = %scan3A_84) -> (i32)  : i32 {
      %broadcast_in_dim3A = vector.broadcast %scan3A_93 : i32 to vector<16xi32>
      %gather3A = tpu.vector_load_idx %arg13[%broadcast_in_dim3A] : memref<128xf32, #tpu.memory_space<vmem>>[vector<16xi32>], vector<16xf32>,
      %gather3A_95 = tpu.vector_load_idx %arg14[%broadcast_in_dim3A] : memref<128xf32, #tpu.memory_space<vmem>>[vector<16xi32>], vector<16xf32>,
      %gather3A_96 = tpu.vector_load_idx %arg15[%broadcast_in_dim3A] : memref<128xf32, #tpu.memory_space<vmem>>[vector<16xi32>], vector<16xf32>,
      %mul3A_97 = arith.constant 1.000000e+01 : f32
      %mul3A_98 = vector.broadcast %mul3A_97 : f32 to vector<16xf32>
      %mul3A_99 = arith.mulf %gather3A, %mul3A_98 : vector<16xf32>
      %convert_element_type3A = arith.fptosi %mul3A_99 : vector<16xf32> to vector<16xi32>
      %mul3A_100 = arith.constant 1.000000e+01 : f32
      %mul3A_101 = vector.broadcast %mul3A_100 : f32 to vector<16xf32>
      %mul3A_102 = arith.mulf %gather3A_95, %mul3A_101 : vector<16xf32>
      %convert_element_type3A_103 = arith.fptosi %mul3A_102 : vector<16xf32> to vector<16xi32>
      %mul3A_104 = arith.constant 1.000000e+01 : f32
      %mul3A_105 = vector.broadcast %mul3A_104 : f32 to vector<16xf32>
      %mul3A_106 = arith.mulf %gather3A_96, %mul3A_105 : vector<16xf32>
      %convert_element_type3A_107 = arith.fptosi %mul3A_106 : vector<16xf32> to vector<16xi32>
      %ge3A = arith.constant 3 : i32
      %ge3A_108 = vector.broadcast %ge3A : i32 to vector<16xi32>
      %ge3A_109 = arith.cmpi sge, %iota3A, %ge3A_108 : vector<16xi32>
      %convert_element_type3A_110 = arith.extui %ge3A_109 : vector<16xi1> to vector<16xi32>
      %ge3A_111 = arith.constant 6 : i32
      %ge3A_112 = vector.broadcast %ge3A_111 : i32 to vector<16xi32>
      %ge3A_113 = arith.cmpi sge, %iota3A, %ge3A_112 : vector<16xi32>
      %convert_element_type3A_114 = arith.extui %ge3A_113 : vector<16xi1> to vector<16xi32>
      %add3A_115 = arith.addi %convert_element_type3A_110, %convert_element_type3A_114 : vector<16xi32>
      %sub3A_116 = arith.constant 1 : i32
      %sub3A_117 = vector.broadcast %sub3A_116 : i32 to vector<16xi32>
      %sub3A_118 = arith.subi %add3A_115, %sub3A_117 : vector<16xi32>
      %mul3A_119 = arith.constant 3 : i32
      %mul3A_120 = vector.broadcast %mul3A_119 : i32 to vector<16xi32>
      %mul3A_121 = arith.muli %mul3A_120, %add3A_115 : vector<16xi32>
      %sub3A_122 = arith.subi %iota3A, %mul3A_121 : vector<16xi32>
      %sub3A_123 = arith.constant 1 : i32
      %sub3A_124 = vector.broadcast %sub3A_123 : i32 to vector<16xi32>
      %sub3A_125 = arith.subi %sub3A_122, %sub3A_124 : vector<16xi32>
      %add3A_126 = arith.addi %convert_element_type3A, %sub3A_118 : vector<16xi32>
      %add3A_127 = arith.addi %convert_element_type3A_103, %sub3A_125 : vector<16xi32>
      %ge3A_128 = arith.constant 0 : i32
      %ge3A_129 = vector.broadcast %ge3A_128 : i32 to vector<16xi32>
      %ge3A_130 = arith.cmpi sge, %add3A_126, %ge3A_129 : vector<16xi32>
      %lt3A = arith.constant 10 : i32
      %lt3A_131 = vector.broadcast %lt3A : i32 to vector<16xi32>
      %lt3A_132 = arith.cmpi slt, %add3A_126, %lt3A_131 : vector<16xi32>
      %and3A_133 = arith.andi %ge3A_130, %lt3A_132 : vector<16xi1>
      %ge3A_134 = arith.constant 0 : i32
      %ge3A_135 = vector.broadcast %ge3A_134 : i32 to vector<16xi32>
      %ge3A_136 = arith.cmpi sge, %add3A_127, %ge3A_135 : vector<16xi32>
      %and3A_137 = arith.andi %and3A_133, %ge3A_136 : vector<16xi1>
      %lt3A_138 = arith.constant 10 : i32
      %lt3A_139 = vector.broadcast %lt3A_138 : i32 to vector<16xi32>
      %lt3A_140 = arith.cmpi slt, %add3A_127, %lt3A_139 : vector<16xi32>
      %and3A_141 = arith.andi %and3A_137, %lt3A_140 : vector<16xi1>
      %lt3A_142 = arith.constant 9 : i32
      %lt3A_143 = vector.broadcast %lt3A_142 : i32 to vector<16xi32>
      %lt3A_144 = arith.cmpi slt, %iota3A, %lt3A_143 : vector<16xi32>
      %and3A_145 = arith.andi %and3A_141, %lt3A_144 : vector<16xi1>
      %convert_element_type3A_146 = arith.sitofp %add3A_126 : vector<16xi32> to vector<16xf32>
      %mul3A_147 = arith.constant 1.000000e-01 : f32
      %mul3A_148 = vector.broadcast %mul3A_147 : f32 to vector<16xf32>
      %mul3A_149 = arith.mulf %convert_element_type3A_146, %mul3A_148 : vector<16xf32>
      %convert_element_type3A_150 = arith.sitofp %add3A_127 : vector<16xi32> to vector<16xf32>
      %mul3A_151 = arith.constant 1.000000e-01 : f32
      %mul3A_152 = vector.broadcast %mul3A_151 : f32 to vector<16xf32>
      %mul3A_153 = arith.mulf %convert_element_type3A_150, %mul3A_152 : vector<16xf32>
      %convert_element_type3A_154 = arith.sitofp %min3A_54 : vector<16xi32> to vector<16xf32>
      %sub3A_155 = arith.subf %mul3A_149, %gather3A : vector<16xf32>
      %sub3A_156 = arith.subf %gather3A, %mul3A_149 : vector<16xf32>
      %sub3A_157 = arith.constant 1.000000e-01 : f32
      %sub3A_158 = vector.broadcast %sub3A_157 : f32 to vector<16xf32>
      %sub3A_159 = arith.subf %sub3A_156, %sub3A_158 : vector<16xf32>
      %max3A = arith.maximumf %sub3A_155, %sub3A_159 : vector<16xf32>
      %max3A_160 = arith.maximumf %max3A, %convert_element_type3A_154 : vector<16xf32>
      %sub3A_161 = arith.subf %mul3A_153, %gather3A_95 : vector<16xf32>
      %sub3A_162 = arith.subf %gather3A_95, %mul3A_153 : vector<16xf32>
      %sub3A_163 = arith.constant 1.000000e-01 : f32
      %sub3A_164 = vector.broadcast %sub3A_163 : f32 to vector<16xf32>
      %sub3A_165 = arith.subf %sub3A_162, %sub3A_164 : vector<16xf32>
      %max3A_166 = arith.maximumf %sub3A_161, %sub3A_165 : vector<16xf32>
      %max3A_167 = arith.maximumf %max3A_166, %convert_element_type3A_154 : vector<16xf32>
      %mul3A_168 = arith.mulf %max3A_160, %max3A_160 : vector<16xf32>
      %mul3A_169 = arith.mulf %max3A_167, %max3A_167 : vector<16xf32>
      %add3A_170 = arith.addf %mul3A_168, %mul3A_169 : vector<16xf32>
      %lt3A_171 = arith.constant 1.000100e-02 : f32
      %lt3A_172 = vector.broadcast %lt3A_171 : f32 to vector<16xf32>
      %lt3A_173 = arith.cmpf olt, %add3A_170, %lt3A_172 : vector<16xf32>
      %and3A_174 = arith.andi %and3A_145, %lt3A_173 : vector<16xi1>
      %convert_element_type3A_175 = arith.sitofp %convert_element_type3A_107 : vector<16xi32> to vector<16xf32>
      %mul3A_176 = arith.constant 1.000000e-01 : f32
      %mul3A_177 = vector.broadcast %mul3A_176 : f32 to vector<16xf32>
      %mul3A_178 = arith.mulf %convert_element_type3A_175, %mul3A_177 : vector<16xf32>
      %sub3A_179 = arith.subf %gather3A_96, %mul3A_178 : vector<16xf32>
      %add3A_180 = arith.constant 1.000000e-01 : f32
      %add3A_181 = vector.broadcast %add3A_180 : f32 to vector<16xf32>
      %add3A_182 = arith.addf %mul3A_178, %add3A_181 : vector<16xf32>
      %sub3A_183 = arith.subf %add3A_182, %gather3A_96 : vector<16xf32>
      %mul3A_184 = arith.mulf %sub3A_179, %sub3A_179 : vector<16xf32>
      %add3A_185 = arith.addf %add3A_170, %mul3A_184 : vector<16xf32>
      %lt3A_186 = arith.constant 1.000100e-02 : f32
      %lt3A_187 = vector.broadcast %lt3A_186 : f32 to vector<16xf32>
      %lt3A_188 = arith.cmpf olt, %add3A_185, %lt3A_187 : vector<16xf32>
      %gt3A = arith.constant 0 : i32
      %gt3A_189 = vector.broadcast %gt3A : i32 to vector<16xi32>
      %gt3A_190 = arith.cmpi sgt, %convert_element_type3A_107, %gt3A_189 : vector<16xi32>
      %and3A_191 = arith.andi %lt3A_188, %gt3A_190 : vector<16xi1>
      %mul3A_192 = arith.mulf %sub3A_183, %sub3A_183 : vector<16xf32>
      %add3A_193 = arith.addf %add3A_170, %mul3A_192 : vector<16xf32>
      %lt3A_194 = arith.constant 1.000100e-02 : f32
      %lt3A_195 = vector.broadcast %lt3A_194 : f32 to vector<16xf32>
      %lt3A_196 = arith.cmpf olt, %add3A_193, %lt3A_195 : vector<16xf32>
      %lt3A_197 = arith.constant 9 : i32
      %lt3A_198 = vector.broadcast %lt3A_197 : i32 to vector<16xi32>
      %lt3A_199 = arith.cmpi slt, %convert_element_type3A_107, %lt3A_198 : vector<16xi32>
      %and3A_200 = arith.andi %lt3A_196, %lt3A_199 : vector<16xi1>
      %convert_element_type3A_201 = arith.extui %and3A_191 : vector<16xi1> to vector<16xi32>
      %sub3A_202 = arith.subi %convert_element_type3A_107, %convert_element_type3A_201 : vector<16xi32>
      %convert_element_type3A_203 = arith.extui %and3A_200 : vector<16xi1> to vector<16xi32>
      %add3A_204 = arith.addi %convert_element_type3A_107, %convert_element_type3A_203 : vector<16xi32>
      %mul3A_205 = arith.constant 10 : i32
      %mul3A_206 = vector.broadcast %mul3A_205 : i32 to vector<16xi32>
      %mul3A_207 = arith.muli %add3A_126, %mul3A_206 : vector<16xi32>
      %add3A_208 = arith.addi %mul3A_207, %add3A_127 : vector<16xi32>
      %mul3A_209 = arith.constant 10 : i32
      %mul3A_210 = vector.broadcast %mul3A_209 : i32 to vector<16xi32>
      %mul3A_211 = arith.muli %add3A_208, %mul3A_210 : vector<16xi32>
      %add3A_212 = arith.addi %mul3A_211, %sub3A_202 : vector<16xi32>
      %jit3A_213 = arith.constant 0 : i32
      %broadcast_in_dim3A_214 = vector.broadcast %jit3A_213 : i32 to vector<16xi32>
      %select_n3A_215 = arith.select %and3A_174, %add3A_212, %broadcast_in_dim3A_214 : vector<16xi1>, vector<16xi32>
      %add3A_216 = arith.addi %mul3A_211, %add3A_204 : vector<16xi32>
      %jit3A_217 = arith.constant 0 : i32
      %broadcast_in_dim3A_218 = vector.broadcast %jit3A_217 : i32 to vector<16xi32>
      %select_n3A_219 = arith.select %and3A_174, %add3A_216, %broadcast_in_dim3A_218 : vector<16xi1>, vector<16xi32>
      %gather3A_220 = tpu.vector_load_idx %arg18[%select_n3A_215] : memref<1008xi32, #tpu.memory_space<vmem>>[vector<16xi32>], vector<16xi32>,
      %gather3A_221 = tpu.vector_load_idx %arg19[%select_n3A_219] : memref<1008xi32, #tpu.memory_space<vmem>>[vector<16xi32>], vector<16xi32>,
      %sub3A_222 = arith.subi %gather3A_221, %gather3A_220 : vector<16xi32>
      %select_n3A_223 = arith.select %and3A_174, %sub3A_222, %min3A_54 : vector<16xi1>, vector<16xi32>
      %broadcast_in_dim3A_224 = arith.constant true
      %broadcast_in_dim3A_225 = vector.broadcast %broadcast_in_dim3A_224 : i1 to vector<16xi1>
      %masked_cumsum3A = tpu.scan <sum>, %select_n3A_223 masked %broadcast_in_dim3A_225 : vector<16xi32>, vector<16xi1> -> vector<16xi32>
      %sub3A_226 = arith.subi %masked_cumsum3A, %select_n3A_223 : vector<16xi32>
      %add3A_227 = arith.constant 15 : i32
      %add3A_228 = vector.broadcast %add3A_227 : i32 to vector<16xi32>
      %add3A_229 = arith.addi %min3A_54, %add3A_228 : vector<16xi32>
      %broadcast_in_dim3A_230 = vector.shape_cast %add3A_229 : vector<16xi32> to vector<16x1xi32>
      %gather3A_231 = vector.shape_cast %broadcast_in_dim3A_230 : vector<16x1xi32> to vector<16xi32>
      %gather3A_232 = tpu.dynamic_gather %masked_cumsum3A[%gather3A_231] in [0] : vector<16xi32>, vector<16xi32> -> vector<16xi32>
      %reduce_max3A = arith.constant true
      %reduce_max3A_233 = vector.broadcast %reduce_max3A : i1 to vector<16xi1>
      %reduce_max3A_234 = arith.constant -2147483648 : i32
      %reduce_max3A_235 = vector.broadcast %reduce_max3A_234 : i32 to vector<16xi32>
      %reduce_max3A_236 = arith.xori %masked_cumsum3A, %reduce_max3A_235 : vector<16xi32>
      %reduce_max3A_237 = tpu.scan <max>, %reduce_max3A_236 masked %reduce_max3A_233 : vector<16xi32>, vector<16xi1> -> vector<16xi32>
      %reduce_max3A_238 = arith.xori %reduce_max3A_237, %reduce_max3A_235 : vector<16xi32>
      %reduce_max3A_239 = vector.extract %reduce_max3A_238[15] : i32 from vector<16xi32>
      %add3A_240 = arith.constant 0 : i32
      %add3A_241 = vector.broadcast %add3A_240 : i32 to vector<16xi32>
      %add3A_242 = arith.addi %min3A_54, %add3A_241 : vector<16xi32>
      %broadcast_in_dim3A_243 = vector.shape_cast %add3A_242 : vector<16xi32> to vector<16x1xi32>
      %gather3A_244 = vector.shape_cast %broadcast_in_dim3A_243 : vector<16x1xi32> to vector<16xi32>
      %gather3A_245 = tpu.dynamic_gather %masked_cumsum3A[%gather3A_244] in [0] : vector<16xi32>, vector<16xi32> -> vector<16xi32>
      %add3A_246 = arith.constant 1 : i32
      %add3A_247 = vector.broadcast %add3A_246 : i32 to vector<16xi32>
      %add3A_248 = arith.addi %min3A_54, %add3A_247 : vector<16xi32>
      %broadcast_in_dim3A_249 = vector.shape_cast %add3A_248 : vector<16xi32> to vector<16x1xi32>
      %gather3A_250 = vector.shape_cast %broadcast_in_dim3A_249 : vector<16x1xi32> to vector<16xi32>
      %gather3A_251 = tpu.dynamic_gather %masked_cumsum3A[%gather3A_250] in [0] : vector<16xi32>, vector<16xi32> -> vector<16xi32>
      %add3A_252 = arith.constant 2 : i32
      %add3A_253 = vector.broadcast %add3A_252 : i32 to vector<16xi32>
      %add3A_254 = arith.addi %min3A_54, %add3A_253 : vector<16xi32>
      %broadcast_in_dim3A_255 = vector.shape_cast %add3A_254 : vector<16xi32> to vector<16x1xi32>
      %gather3A_256 = vector.shape_cast %broadcast_in_dim3A_255 : vector<16x1xi32> to vector<16xi32>
      %gather3A_257 = tpu.dynamic_gather %masked_cumsum3A[%gather3A_256] in [0] : vector<16xi32>, vector<16xi32> -> vector<16xi32>
      %add3A_258 = arith.constant 3 : i32
      %add3A_259 = vector.broadcast %add3A_258 : i32 to vector<16xi32>
      %add3A_260 = arith.addi %min3A_54, %add3A_259 : vector<16xi32>
      %broadcast_in_dim3A_261 = vector.shape_cast %add3A_260 : vector<16xi32> to vector<16x1xi32>
      %gather3A_262 = vector.shape_cast %broadcast_in_dim3A_261 : vector<16x1xi32> to vector<16xi32>
      %gather3A_263 = tpu.dynamic_gather %masked_cumsum3A[%gather3A_262] in [0] : vector<16xi32>, vector<16xi32> -> vector<16xi32>
      %add3A_264 = arith.constant 4 : i32
      %add3A_265 = vector.broadcast %add3A_264 : i32 to vector<16xi32>
      %add3A_266 = arith.addi %min3A_54, %add3A_265 : vector<16xi32>
      %broadcast_in_dim3A_267 = vector.shape_cast %add3A_266 : vector<16xi32> to vector<16x1xi32>
      %gather3A_268 = vector.shape_cast %broadcast_in_dim3A_267 : vector<16x1xi32> to vector<16xi32>
      %gather3A_269 = tpu.dynamic_gather %masked_cumsum3A[%gather3A_268] in [0] : vector<16xi32>, vector<16xi32> -> vector<16xi32>
      %add3A_270 = arith.constant 5 : i32
      %add3A_271 = vector.broadcast %add3A_270 : i32 to vector<16xi32>
      %add3A_272 = arith.addi %min3A_54, %add3A_271 : vector<16xi32>
      %broadcast_in_dim3A_273 = vector.shape_cast %add3A_272 : vector<16xi32> to vector<16x1xi32>
      %gather3A_274 = vector.shape_cast %broadcast_in_dim3A_273 : vector<16x1xi32> to vector<16xi32>
      %gather3A_275 = tpu.dynamic_gather %masked_cumsum3A[%gather3A_274] in [0] : vector<16xi32>, vector<16xi32> -> vector<16xi32>
      %add3A_276 = arith.constant 6 : i32
      %add3A_277 = vector.broadcast %add3A_276 : i32 to vector<16xi32>
      %add3A_278 = arith.addi %min3A_54, %add3A_277 : vector<16xi32>
      %broadcast_in_dim3A_279 = vector.shape_cast %add3A_278 : vector<16xi32> to vector<16x1xi32>
      %gather3A_280 = vector.shape_cast %broadcast_in_dim3A_279 : vector<16x1xi32> to vector<16xi32>
      %gather3A_281 = tpu.dynamic_gather %masked_cumsum3A[%gather3A_280] in [0] : vector<16xi32>, vector<16xi32> -> vector<16xi32>
      %add3A_282 = arith.constant 7 : i32
      %add3A_283 = vector.broadcast %add3A_282 : i32 to vector<16xi32>
      %add3A_284 = arith.addi %min3A_54, %add3A_283 : vector<16xi32>
      %broadcast_in_dim3A_285 = vector.shape_cast %add3A_284 : vector<16xi32> to vector<16x1xi32>
      %gather3A_286 = vector.shape_cast %broadcast_in_dim3A_285 : vector<16x1xi32> to vector<16xi32>
      %gather3A_287 = tpu.dynamic_gather %masked_cumsum3A[%gather3A_286] in [0] : vector<16xi32>, vector<16xi32> -> vector<16xi32>
      %add3A_288 = arith.constant 8 : i32
      %add3A_289 = vector.broadcast %add3A_288 : i32 to vector<16xi32>
      %add3A_290 = arith.addi %min3A_54, %add3A_289 : vector<16xi32>
      %broadcast_in_dim3A_291 = vector.shape_cast %add3A_290 : vector<16xi32> to vector<16x1xi32>
      %gather3A_292 = vector.shape_cast %broadcast_in_dim3A_291 : vector<16x1xi32> to vector<16xi32>
      %gather3A_293 = tpu.dynamic_gather %masked_cumsum3A[%gather3A_292] in [0] : vector<16xi32>, vector<16xi32> -> vector<16xi32>
      %add3A_294 = arith.constant 31 : i32
      %add3A_295 = arith.addi %reduce_max3A_239, %add3A_294 : i32
      %jit3A_296 = arith.constant 32 : i32
      %div3A_297 = arith.divsi %add3A_295, %jit3A_296 : i32
      %sign3A_298 = arith.constant 0 : i32
      %sign3A_299 = arith.cmpi sgt, %add3A_295, %sign3A_298 : i32
      %sign3A_300 = arith.extui %sign3A_299 : i1 to i32
      %sign3A_301 = arith.constant 0 : i32
      %sign3A_302 = arith.cmpi slt, %add3A_295, %sign3A_301 : i32
      %sign3A_303 = arith.extui %sign3A_302 : i1 to i32
      %sign3A_304 = arith.subi %sign3A_300, %sign3A_303 : i32
      %sign3A_305 = arith.constant 0 : i32
      %sign3A_306 = arith.cmpi sgt, %jit3A_296, %sign3A_305 : i32
      %sign3A_307 = arith.extui %sign3A_306 : i1 to i32
      %sign3A_308 = arith.constant 0 : i32
      %sign3A_309 = arith.cmpi slt, %jit3A_296, %sign3A_308 : i32
      %sign3A_310 = arith.extui %sign3A_309 : i1 to i32
      %sign3A_311 = arith.subi %sign3A_307, %sign3A_310 : i32
      %ne3A_312 = arith.cmpi ne, %sign3A_304, %sign3A_311 : i32
      %rem3A_313 = arith.remsi %add3A_295, %jit3A_296 : i32
      %ne3A_314 = arith.constant 0 : i32
      %ne3A_315 = arith.cmpi ne, %rem3A_313, %ne3A_314 : i32
      %and3A_316 = arith.andi %ne3A_312, %ne3A_315 : i1
      %sub3A_317 = arith.constant 1 : i32
      %sub3A_318 = arith.subi %div3A_297, %sub3A_317 : i32
      %select_n3A_319 = arith.select %and3A_316, %sub3A_318, %div3A_297 : i32
      %while3A = arith.constant 0 : i32
      %while3A_320 = arith.subi %select_n3A_319, %while3A : i32
      %while3A_321 = arith.addi %while3A, %while3A_320 : i32
      %while3A_322 = arith.constant 1 : i32
      %while3A_323 = arith.divsi %while3A_320, %while3A_322 : i32
      %while3A_324 = arith.muli %while3A_323, %while3A_322 : i32
      %while3A_325 = arith.addi %while3A, %while3A_324 : i32
      %while3A_326 = arith.constant 1 : i32
      %while3A_327 = scf.for %while3A_417 = %while3A to %while3A_325 step %while3A_326 iter_args(%while3A_418 = %min3A_54) -> (vector<16xi32>)  : i32 {
        %mul3A_419 = arith.constant 32 : i32
        %mul3A_420 = arith.muli %while3A_417, %mul3A_419 : i32
        %add3A_421 = vector.broadcast %mul3A_420 : i32 to vector<16xi32>
        %add3A_422 = arith.addi %add3A_421, %iota3A : vector<16xi32>
        %le3A = arith.cmpi sle, %gather3A_245, %add3A_422 : vector<16xi32>
        %convert_element_type3A_423 = arith.extui %le3A : vector<16xi1> to vector<16xi32>
        %add3A_424 = arith.addi %min3A_54, %convert_element_type3A_423 : vector<16xi32>
        %le3A_425 = arith.cmpi sle, %gather3A_251, %add3A_422 : vector<16xi32>
        %convert_element_type3A_426 = arith.extui %le3A_425 : vector<16xi1> to vector<16xi32>
        %add3A_427 = arith.addi %add3A_424, %convert_element_type3A_426 : vector<16xi32>
        %le3A_428 = arith.cmpi sle, %gather3A_257, %add3A_422 : vector<16xi32>
        %convert_element_type3A_429 = arith.extui %le3A_428 : vector<16xi1> to vector<16xi32>
        %add3A_430 = arith.addi %add3A_427, %convert_element_type3A_429 : vector<16xi32>
        %le3A_431 = arith.cmpi sle, %gather3A_263, %add3A_422 : vector<16xi32>
        %convert_element_type3A_432 = arith.extui %le3A_431 : vector<16xi1> to vector<16xi32>
        %add3A_433 = arith.addi %add3A_430, %convert_element_type3A_432 : vector<16xi32>
        %le3A_434 = arith.cmpi sle, %gather3A_269, %add3A_422 : vector<16xi32>
        %convert_element_type3A_435 = arith.extui %le3A_434 : vector<16xi1> to vector<16xi32>
        %add3A_436 = arith.addi %add3A_433, %convert_element_type3A_435 : vector<16xi32>
        %le3A_437 = arith.cmpi sle, %gather3A_275, %add3A_422 : vector<16xi32>
        %convert_element_type3A_438 = arith.extui %le3A_437 : vector<16xi1> to vector<16xi32>
        %add3A_439 = arith.addi %add3A_436, %convert_element_type3A_438 : vector<16xi32>
        %le3A_440 = arith.cmpi sle, %gather3A_281, %add3A_422 : vector<16xi32>
        %convert_element_type3A_441 = arith.extui %le3A_440 : vector<16xi1> to vector<16xi32>
        %add3A_442 = arith.addi %add3A_439, %convert_element_type3A_441 : vector<16xi32>
        %le3A_443 = arith.cmpi sle, %gather3A_287, %add3A_422 : vector<16xi32>
        %convert_element_type3A_444 = arith.extui %le3A_443 : vector<16xi1> to vector<16xi32>
        %add3A_445 = arith.addi %add3A_442, %convert_element_type3A_444 : vector<16xi32>
        %le3A_446 = arith.cmpi sle, %gather3A_293, %add3A_422 : vector<16xi32>
        %convert_element_type3A_447 = arith.extui %le3A_446 : vector<16xi1> to vector<16xi32>
        %add3A_448 = arith.addi %add3A_445, %convert_element_type3A_447 : vector<16xi32>
        %broadcast_in_dim3A_449 = vector.shape_cast %add3A_448 : vector<16xi32> to vector<16x1xi32>
        %gather3A_450 = vector.shape_cast %broadcast_in_dim3A_449 : vector<16x1xi32> to vector<16xi32>
        %gather3A_451 = tpu.dynamic_gather %gather3A_220[%gather3A_450] in [0] : vector<16xi32>, vector<16xi32> -> vector<16xi32>
        %add3A_452 = arith.addi %gather3A_451, %add3A_422 : vector<16xi32>
        %broadcast_in_dim3A_453 = vector.shape_cast %add3A_448 : vector<16xi32> to vector<16x1xi32>
        %gather3A_454 = vector.shape_cast %broadcast_in_dim3A_453 : vector<16x1xi32> to vector<16xi32>
        %gather3A_455 = tpu.dynamic_gather %sub3A_226[%gather3A_454] in [0] : vector<16xi32>, vector<16xi32> -> vector<16xi32>
        %sub3A_456 = arith.subi %add3A_452, %gather3A_455 : vector<16xi32>
        %lt3A_457 = arith.cmpi slt, %add3A_422, %gather3A_232 : vector<16xi32>
        %select_n3A_458 = arith.select %lt3A_457, %sub3A_456, %min3A_54 : vector<16xi1>, vector<16xi32>
        %gather3A_459 = tpu.vector_load_idx %arg21[%select_n3A_458] : memref<4096xi32, #tpu.memory_space<vmem>>[vector<16xi32>], vector<16xi32>,
        %gather3A_460 = tpu.vector_load_idx %arg10[%gather3A_459] : memref<4096xf32, #tpu.memory_space<vmem>>[vector<16xi32>], vector<16xf32>,
        %gather3A_461 = tpu.vector_load_idx %arg11[%gather3A_459] : memref<4096xf32, #tpu.memory_space<vmem>>[vector<16xi32>], vector<16xf32>,
        %gather3A_462 = tpu.vector_load_idx %arg12[%gather3A_459] : memref<4096xf32, #tpu.memory_space<vmem>>[vector<16xi32>], vector<16xf32>,
        %sub3A_463 = arith.subf %gather3A_460, %gather3A : vector<16xf32>
        %sub3A_464 = arith.subf %gather3A_461, %gather3A_95 : vector<16xf32>
        %sub3A_465 = arith.subf %gather3A_462, %gather3A_96 : vector<16xf32>
        %mul3A_466 = arith.mulf %sub3A_463, %sub3A_463 : vector<16xf32>
        %mul3A_467 = arith.mulf %sub3A_464, %sub3A_464 : vector<16xf32>
        %add3A_468 = arith.addf %mul3A_466, %mul3A_467 : vector<16xf32>
        %mul3A_469 = arith.mulf %sub3A_465, %sub3A_465 : vector<16xf32>
        %add3A_470 = arith.addf %add3A_468, %mul3A_469 : vector<16xf32>
        %lt3A_471 = arith.constant 0.00999999977 : f32
        %lt3A_472 = vector.broadcast %lt3A_471 : f32 to vector<16xf32>
        %lt3A_473 = arith.cmpf olt, %add3A_470, %lt3A_472 : vector<16xf32>
        %and3A_474 = arith.andi %lt3A_473, %lt3A_457 : vector<16xi1>
        %add3A_475 = arith.constant 16 : i32
        %add3A_476 = vector.broadcast %add3A_475 : i32 to vector<16xi32>
        %add3A_477 = arith.addi %add3A_422, %add3A_476 : vector<16xi32>
        %le3A_478 = arith.cmpi sle, %gather3A_245, %add3A_477 : vector<16xi32>
        %convert_element_type3A_479 = arith.extui %le3A_478 : vector<16xi1> to vector<16xi32>
        %add3A_480 = arith.addi %min3A_54, %convert_element_type3A_479 : vector<16xi32>
        %le3A_481 = arith.cmpi sle, %gather3A_251, %add3A_477 : vector<16xi32>
        %convert_element_type3A_482 = arith.extui %le3A_481 : vector<16xi1> to vector<16xi32>
        %add3A_483 = arith.addi %add3A_480, %convert_element_type3A_482 : vector<16xi32>
        %le3A_484 = arith.cmpi sle, %gather3A_257, %add3A_477 : vector<16xi32>
        %convert_element_type3A_485 = arith.extui %le3A_484 : vector<16xi1> to vector<16xi32>
        %add3A_486 = arith.addi %add3A_483, %convert_element_type3A_485 : vector<16xi32>
        %le3A_487 = arith.cmpi sle, %gather3A_263, %add3A_477 : vector<16xi32>
        %convert_element_type3A_488 = arith.extui %le3A_487 : vector<16xi1> to vector<16xi32>
        %add3A_489 = arith.addi %add3A_486, %convert_element_type3A_488 : vector<16xi32>
        %le3A_490 = arith.cmpi sle, %gather3A_269, %add3A_477 : vector<16xi32>
        %convert_element_type3A_491 = arith.extui %le3A_490 : vector<16xi1> to vector<16xi32>
        %add3A_492 = arith.addi %add3A_489, %convert_element_type3A_491 : vector<16xi32>
        %le3A_493 = arith.cmpi sle, %gather3A_275, %add3A_477 : vector<16xi32>
        %convert_element_type3A_494 = arith.extui %le3A_493 : vector<16xi1> to vector<16xi32>
        %add3A_495 = arith.addi %add3A_492, %convert_element_type3A_494 : vector<16xi32>
        %le3A_496 = arith.cmpi sle, %gather3A_281, %add3A_477 : vector<16xi32>
        %convert_element_type3A_497 = arith.extui %le3A_496 : vector<16xi1> to vector<16xi32>
        %add3A_498 = arith.addi %add3A_495, %convert_element_type3A_497 : vector<16xi32>
        %le3A_499 = arith.cmpi sle, %gather3A_287, %add3A_477 : vector<16xi32>
        %convert_element_type3A_500 = arith.extui %le3A_499 : vector<16xi1> to vector<16xi32>
        %add3A_501 = arith.addi %add3A_498, %convert_element_type3A_500 : vector<16xi32>
        %le3A_502 = arith.cmpi sle, %gather3A_293, %add3A_477 : vector<16xi32>
        %convert_element_type3A_503 = arith.extui %le3A_502 : vector<16xi1> to vector<16xi32>
        %add3A_504 = arith.addi %add3A_501, %convert_element_type3A_503 : vector<16xi32>
        %broadcast_in_dim3A_505 = vector.shape_cast %add3A_504 : vector<16xi32> to vector<16x1xi32>
        %gather3A_506 = vector.shape_cast %broadcast_in_dim3A_505 : vector<16x1xi32> to vector<16xi32>
        %gather3A_507 = tpu.dynamic_gather %gather3A_220[%gather3A_506] in [0] : vector<16xi32>, vector<16xi32> -> vector<16xi32>
        %add3A_508 = arith.addi %gather3A_507, %add3A_477 : vector<16xi32>
        %broadcast_in_dim3A_509 = vector.shape_cast %add3A_504 : vector<16xi32> to vector<16x1xi32>
        %gather3A_510 = vector.shape_cast %broadcast_in_dim3A_509 : vector<16x1xi32> to vector<16xi32>
        %gather3A_511 = tpu.dynamic_gather %sub3A_226[%gather3A_510] in [0] : vector<16xi32>, vector<16xi32> -> vector<16xi32>
        %sub3A_512 = arith.subi %add3A_508, %gather3A_511 : vector<16xi32>
        %lt3A_513 = arith.cmpi slt, %add3A_477, %gather3A_232 : vector<16xi32>
        %select_n3A_514 = arith.select %lt3A_513, %sub3A_512, %min3A_54 : vector<16xi1>, vector<16xi32>
        %gather3A_515 = tpu.vector_load_idx %arg21[%select_n3A_514] : memref<4096xi32, #tpu.memory_space<vmem>>[vector<16xi32>], vector<16xi32>,
        %gather3A_516 = tpu.vector_load_idx %arg10[%gather3A_515] : memref<4096xf32, #tpu.memory_space<vmem>>[vector<16xi32>], vector<16xf32>,
        %gather3A_517 = tpu.vector_load_idx %arg11[%gather3A_515] : memref<4096xf32, #tpu.memory_space<vmem>>[vector<16xi32>], vector<16xf32>,
        %gather3A_518 = tpu.vector_load_idx %arg12[%gather3A_515] : memref<4096xf32, #tpu.memory_space<vmem>>[vector<16xi32>], vector<16xf32>,
        %sub3A_519 = arith.subf %gather3A_516, %gather3A : vector<16xf32>
        %sub3A_520 = arith.subf %gather3A_517, %gather3A_95 : vector<16xf32>
        %sub3A_521 = arith.subf %gather3A_518, %gather3A_96 : vector<16xf32>
        %mul3A_522 = arith.mulf %sub3A_519, %sub3A_519 : vector<16xf32>
        %mul3A_523 = arith.mulf %sub3A_520, %sub3A_520 : vector<16xf32>
        %add3A_524 = arith.addf %mul3A_522, %mul3A_523 : vector<16xf32>
        %mul3A_525 = arith.mulf %sub3A_521, %sub3A_521 : vector<16xf32>
        %add3A_526 = arith.addf %add3A_524, %mul3A_525 : vector<16xf32>
        %lt3A_527 = arith.constant 0.00999999977 : f32
        %lt3A_528 = vector.broadcast %lt3A_527 : f32 to vector<16xf32>
        %lt3A_529 = arith.cmpf olt, %add3A_526, %lt3A_528 : vector<16xf32>
        %and3A_530 = arith.andi %lt3A_529, %lt3A_513 : vector<16xi1>
        %convert_element_type3A_531 = arith.extui %and3A_474 : vector<16xi1> to vector<16xi32>
        %broadcast_in_dim3A_532 = arith.constant true
        %broadcast_in_dim3A_533 = vector.broadcast %broadcast_in_dim3A_532 : i1 to vector<16xi1>
        %masked_cumsum3A_534 = tpu.scan <sum>, %convert_element_type3A_531 masked %broadcast_in_dim3A_533 : vector<16xi32>, vector<16xi1> -> vector<16xi32>
        %add3A_535 = arith.addi %while3A_418, %masked_cumsum3A_534 : vector<16xi32>
        %sub3A_536 = arith.constant 1 : i32
        %sub3A_537 = vector.broadcast %sub3A_536 : i32 to vector<16xi32>
        %sub3A_538 = arith.subi %add3A_535, %sub3A_537 : vector<16xi32>
        tpu.vector_store_idx %arg22[%sub3A_538], %gather3A_459 masked %and3A_474 : memref<4112xi32, #tpu.memory_space<vmem>>[vector<16xi32>], vector<16xi32>, vector<16xi1>
        %all_reduce_population_count3A = tpu.all_reduce %and3A_474 {dim = 0 : i64, kind = #tpu.reduction_kind<sum>} : vector<16xi1> -> vector<16xi32>
        %add3A_539 = arith.addi %while3A_418, %all_reduce_population_count3A : vector<16xi32>
        %convert_element_type3A_540 = arith.extui %and3A_530 : vector<16xi1> to vector<16xi32>
        %broadcast_in_dim3A_541 = arith.constant true
        %broadcast_in_dim3A_542 = vector.broadcast %broadcast_in_dim3A_541 : i1 to vector<16xi1>
        %masked_cumsum3A_543 = tpu.scan <sum>, %convert_element_type3A_540 masked %broadcast_in_dim3A_542 : vector<16xi32>, vector<16xi1> -> vector<16xi32>
        %add3A_544 = arith.addi %add3A_539, %masked_cumsum3A_543 : vector<16xi32>
        %sub3A_545 = arith.constant 1 : i32
        %sub3A_546 = vector.broadcast %sub3A_545 : i32 to vector<16xi32>
        %sub3A_547 = arith.subi %add3A_544, %sub3A_546 : vector<16xi32>
        tpu.vector_store_idx %arg22[%sub3A_547], %gather3A_515 masked %and3A_530 : memref<4112xi32, #tpu.memory_space<vmem>>[vector<16xi32>], vector<16xi32>, vector<16xi1>
        %all_reduce_population_count3A_548 = tpu.all_reduce %and3A_530 {dim = 0 : i64, kind = #tpu.reduction_kind<sum>} : vector<16xi1> -> vector<16xi32>
        %add3A_549 = arith.addi %add3A_539, %all_reduce_population_count3A_548 : vector<16xi32>
        scf.yield %add3A_549 : vector<16xi32>
      }
      %while3A_328 = arith.constant 1 : i32
      %while3A_329 = scf.for %while3A_417 = %while3A_325 to %while3A_321 step %while3A_328 iter_args(%while3A_418 = %while3A_327) -> (vector<16xi32>)  : i32 {
        %mul3A_419 = arith.constant 32 : i32
        %mul3A_420 = arith.muli %while3A_417, %mul3A_419 : i32
        %add3A_421 = vector.broadcast %mul3A_420 : i32 to vector<16xi32>
        %add3A_422 = arith.addi %add3A_421, %iota3A : vector<16xi32>
        %le3A = arith.cmpi sle, %gather3A_245, %add3A_422 : vector<16xi32>
        %convert_element_type3A_423 = arith.extui %le3A : vector<16xi1> to vector<16xi32>
        %add3A_424 = arith.addi %min3A_54, %convert_element_type3A_423 : vector<16xi32>
        %le3A_425 = arith.cmpi sle, %gather3A_251, %add3A_422 : vector<16xi32>
        %convert_element_type3A_426 = arith.extui %le3A_425 : vector<16xi1> to vector<16xi32>
        %add3A_427 = arith.addi %add3A_424, %convert_element_type3A_426 : vector<16xi32>
        %le3A_428 = arith.cmpi sle, %gather3A_257, %add3A_422 : vector<16xi32>
        %convert_element_type3A_429 = arith.extui %le3A_428 : vector<16xi1> to vector<16xi32>
        %add3A_430 = arith.addi %add3A_427, %convert_element_type3A_429 : vector<16xi32>
        %le3A_431 = arith.cmpi sle, %gather3A_263, %add3A_422 : vector<16xi32>
        %convert_element_type3A_432 = arith.extui %le3A_431 : vector<16xi1> to vector<16xi32>
        %add3A_433 = arith.addi %add3A_430, %convert_element_type3A_432 : vector<16xi32>
        %le3A_434 = arith.cmpi sle, %gather3A_269, %add3A_422 : vector<16xi32>
        %convert_element_type3A_435 = arith.extui %le3A_434 : vector<16xi1> to vector<16xi32>
        %add3A_436 = arith.addi %add3A_433, %convert_element_type3A_435 : vector<16xi32>
        %le3A_437 = arith.cmpi sle, %gather3A_275, %add3A_422 : vector<16xi32>
        %convert_element_type3A_438 = arith.extui %le3A_437 : vector<16xi1> to vector<16xi32>
        %add3A_439 = arith.addi %add3A_436, %convert_element_type3A_438 : vector<16xi32>
        %le3A_440 = arith.cmpi sle, %gather3A_281, %add3A_422 : vector<16xi32>
        %convert_element_type3A_441 = arith.extui %le3A_440 : vector<16xi1> to vector<16xi32>
        %add3A_442 = arith.addi %add3A_439, %convert_element_type3A_441 : vector<16xi32>
        %le3A_443 = arith.cmpi sle, %gather3A_287, %add3A_422 : vector<16xi32>
        %convert_element_type3A_444 = arith.extui %le3A_443 : vector<16xi1> to vector<16xi32>
        %add3A_445 = arith.addi %add3A_442, %convert_element_type3A_444 : vector<16xi32>
        %le3A_446 = arith.cmpi sle, %gather3A_293, %add3A_422 : vector<16xi32>
        %convert_element_type3A_447 = arith.extui %le3A_446 : vector<16xi1> to vector<16xi32>
        %add3A_448 = arith.addi %add3A_445, %convert_element_type3A_447 : vector<16xi32>
        %broadcast_in_dim3A_449 = vector.shape_cast %add3A_448 : vector<16xi32> to vector<16x1xi32>
        %gather3A_450 = vector.shape_cast %broadcast_in_dim3A_449 : vector<16x1xi32> to vector<16xi32>
        %gather3A_451 = tpu.dynamic_gather %gather3A_220[%gather3A_450] in [0] : vector<16xi32>, vector<16xi32> -> vector<16xi32>
        %add3A_452 = arith.addi %gather3A_451, %add3A_422 : vector<16xi32>
        %broadcast_in_dim3A_453 = vector.shape_cast %add3A_448 : vector<16xi32> to vector<16x1xi32>
        %gather3A_454 = vector.shape_cast %broadcast_in_dim3A_453 : vector<16x1xi32> to vector<16xi32>
        %gather3A_455 = tpu.dynamic_gather %sub3A_226[%gather3A_454] in [0] : vector<16xi32>, vector<16xi32> -> vector<16xi32>
        %sub3A_456 = arith.subi %add3A_452, %gather3A_455 : vector<16xi32>
        %lt3A_457 = arith.cmpi slt, %add3A_422, %gather3A_232 : vector<16xi32>
        %select_n3A_458 = arith.select %lt3A_457, %sub3A_456, %min3A_54 : vector<16xi1>, vector<16xi32>
        %gather3A_459 = tpu.vector_load_idx %arg21[%select_n3A_458] : memref<4096xi32, #tpu.memory_space<vmem>>[vector<16xi32>], vector<16xi32>,
        %gather3A_460 = tpu.vector_load_idx %arg10[%gather3A_459] : memref<4096xf32, #tpu.memory_space<vmem>>[vector<16xi32>], vector<16xf32>,
        %gather3A_461 = tpu.vector_load_idx %arg11[%gather3A_459] : memref<4096xf32, #tpu.memory_space<vmem>>[vector<16xi32>], vector<16xf32>,
        %gather3A_462 = tpu.vector_load_idx %arg12[%gather3A_459] : memref<4096xf32, #tpu.memory_space<vmem>>[vector<16xi32>], vector<16xf32>,
        %sub3A_463 = arith.subf %gather3A_460, %gather3A : vector<16xf32>
        %sub3A_464 = arith.subf %gather3A_461, %gather3A_95 : vector<16xf32>
        %sub3A_465 = arith.subf %gather3A_462, %gather3A_96 : vector<16xf32>
        %mul3A_466 = arith.mulf %sub3A_463, %sub3A_463 : vector<16xf32>
        %mul3A_467 = arith.mulf %sub3A_464, %sub3A_464 : vector<16xf32>
        %add3A_468 = arith.addf %mul3A_466, %mul3A_467 : vector<16xf32>
        %mul3A_469 = arith.mulf %sub3A_465, %sub3A_465 : vector<16xf32>
        %add3A_470 = arith.addf %add3A_468, %mul3A_469 : vector<16xf32>
        %lt3A_471 = arith.constant 0.00999999977 : f32
        %lt3A_472 = vector.broadcast %lt3A_471 : f32 to vector<16xf32>
        %lt3A_473 = arith.cmpf olt, %add3A_470, %lt3A_472 : vector<16xf32>
        %and3A_474 = arith.andi %lt3A_473, %lt3A_457 : vector<16xi1>
        %add3A_475 = arith.constant 16 : i32
        %add3A_476 = vector.broadcast %add3A_475 : i32 to vector<16xi32>
        %add3A_477 = arith.addi %add3A_422, %add3A_476 : vector<16xi32>
        %le3A_478 = arith.cmpi sle, %gather3A_245, %add3A_477 : vector<16xi32>
        %convert_element_type3A_479 = arith.extui %le3A_478 : vector<16xi1> to vector<16xi32>
        %add3A_480 = arith.addi %min3A_54, %convert_element_type3A_479 : vector<16xi32>
        %le3A_481 = arith.cmpi sle, %gather3A_251, %add3A_477 : vector<16xi32>
        %convert_element_type3A_482 = arith.extui %le3A_481 : vector<16xi1> to vector<16xi32>
        %add3A_483 = arith.addi %add3A_480, %convert_element_type3A_482 : vector<16xi32>
        %le3A_484 = arith.cmpi sle, %gather3A_257, %add3A_477 : vector<16xi32>
        %convert_element_type3A_485 = arith.extui %le3A_484 : vector<16xi1> to vector<16xi32>
        %add3A_486 = arith.addi %add3A_483, %convert_element_type3A_485 : vector<16xi32>
        %le3A_487 = arith.cmpi sle, %gather3A_263, %add3A_477 : vector<16xi32>
        %convert_element_type3A_488 = arith.extui %le3A_487 : vector<16xi1> to vector<16xi32>
        %add3A_489 = arith.addi %add3A_486, %convert_element_type3A_488 : vector<16xi32>
        %le3A_490 = arith.cmpi sle, %gather3A_269, %add3A_477 : vector<16xi32>
        %convert_element_type3A_491 = arith.extui %le3A_490 : vector<16xi1> to vector<16xi32>
        %add3A_492 = arith.addi %add3A_489, %convert_element_type3A_491 : vector<16xi32>
        %le3A_493 = arith.cmpi sle, %gather3A_275, %add3A_477 : vector<16xi32>
        %convert_element_type3A_494 = arith.extui %le3A_493 : vector<16xi1> to vector<16xi32>
        %add3A_495 = arith.addi %add3A_492, %convert_element_type3A_494 : vector<16xi32>
        %le3A_496 = arith.cmpi sle, %gather3A_281, %add3A_477 : vector<16xi32>
        %convert_element_type3A_497 = arith.extui %le3A_496 : vector<16xi1> to vector<16xi32>
        %add3A_498 = arith.addi %add3A_495, %convert_element_type3A_497 : vector<16xi32>
        %le3A_499 = arith.cmpi sle, %gather3A_287, %add3A_477 : vector<16xi32>
        %convert_element_type3A_500 = arith.extui %le3A_499 : vector<16xi1> to vector<16xi32>
        %add3A_501 = arith.addi %add3A_498, %convert_element_type3A_500 : vector<16xi32>
        %le3A_502 = arith.cmpi sle, %gather3A_293, %add3A_477 : vector<16xi32>
        %convert_element_type3A_503 = arith.extui %le3A_502 : vector<16xi1> to vector<16xi32>
        %add3A_504 = arith.addi %add3A_501, %convert_element_type3A_503 : vector<16xi32>
        %broadcast_in_dim3A_505 = vector.shape_cast %add3A_504 : vector<16xi32> to vector<16x1xi32>
        %gather3A_506 = vector.shape_cast %broadcast_in_dim3A_505 : vector<16x1xi32> to vector<16xi32>
        %gather3A_507 = tpu.dynamic_gather %gather3A_220[%gather3A_506] in [0] : vector<16xi32>, vector<16xi32> -> vector<16xi32>
        %add3A_508 = arith.addi %gather3A_507, %add3A_477 : vector<16xi32>
        %broadcast_in_dim3A_509 = vector.shape_cast %add3A_504 : vector<16xi32> to vector<16x1xi32>
        %gather3A_510 = vector.shape_cast %broadcast_in_dim3A_509 : vector<16x1xi32> to vector<16xi32>
        %gather3A_511 = tpu.dynamic_gather %sub3A_226[%gather3A_510] in [0] : vector<16xi32>, vector<16xi32> -> vector<16xi32>
        %sub3A_512 = arith.subi %add3A_508, %gather3A_511 : vector<16xi32>
        %lt3A_513 = arith.cmpi slt, %add3A_477, %gather3A_232 : vector<16xi32>
        %select_n3A_514 = arith.select %lt3A_513, %sub3A_512, %min3A_54 : vector<16xi1>, vector<16xi32>
        %gather3A_515 = tpu.vector_load_idx %arg21[%select_n3A_514] : memref<4096xi32, #tpu.memory_space<vmem>>[vector<16xi32>], vector<16xi32>,
        %gather3A_516 = tpu.vector_load_idx %arg10[%gather3A_515] : memref<4096xf32, #tpu.memory_space<vmem>>[vector<16xi32>], vector<16xf32>,
        %gather3A_517 = tpu.vector_load_idx %arg11[%gather3A_515] : memref<4096xf32, #tpu.memory_space<vmem>>[vector<16xi32>], vector<16xf32>,
        %gather3A_518 = tpu.vector_load_idx %arg12[%gather3A_515] : memref<4096xf32, #tpu.memory_space<vmem>>[vector<16xi32>], vector<16xf32>,
        %sub3A_519 = arith.subf %gather3A_516, %gather3A : vector<16xf32>
        %sub3A_520 = arith.subf %gather3A_517, %gather3A_95 : vector<16xf32>
        %sub3A_521 = arith.subf %gather3A_518, %gather3A_96 : vector<16xf32>
        %mul3A_522 = arith.mulf %sub3A_519, %sub3A_519 : vector<16xf32>
        %mul3A_523 = arith.mulf %sub3A_520, %sub3A_520 : vector<16xf32>
        %add3A_524 = arith.addf %mul3A_522, %mul3A_523 : vector<16xf32>
        %mul3A_525 = arith.mulf %sub3A_521, %sub3A_521 : vector<16xf32>
        %add3A_526 = arith.addf %add3A_524, %mul3A_525 : vector<16xf32>
        %lt3A_527 = arith.constant 0.00999999977 : f32
        %lt3A_528 = vector.broadcast %lt3A_527 : f32 to vector<16xf32>
        %lt3A_529 = arith.cmpf olt, %add3A_526, %lt3A_528 : vector<16xf32>
        %and3A_530 = arith.andi %lt3A_529, %lt3A_513 : vector<16xi1>
        %convert_element_type3A_531 = arith.extui %and3A_474 : vector<16xi1> to vector<16xi32>
        %broadcast_in_dim3A_532 = arith.constant true
        %broadcast_in_dim3A_533 = vector.broadcast %broadcast_in_dim3A_532 : i1 to vector<16xi1>
        %masked_cumsum3A_534 = tpu.scan <sum>, %convert_element_type3A_531 masked %broadcast_in_dim3A_533 : vector<16xi32>, vector<16xi1> -> vector<16xi32>
        %add3A_535 = arith.addi %while3A_418, %masked_cumsum3A_534 : vector<16xi32>
        %sub3A_536 = arith.constant 1 : i32
        %sub3A_537 = vector.broadcast %sub3A_536 : i32 to vector<16xi32>
        %sub3A_538 = arith.subi %add3A_535, %sub3A_537 : vector<16xi32>
        tpu.vector_store_idx %arg22[%sub3A_538], %gather3A_459 masked %and3A_474 : memref<4112xi32, #tpu.memory_space<vmem>>[vector<16xi32>], vector<16xi32>, vector<16xi1>
        %all_reduce_population_count3A = tpu.all_reduce %and3A_474 {dim = 0 : i64, kind = #tpu.reduction_kind<sum>} : vector<16xi1> -> vector<16xi32>
        %add3A_539 = arith.addi %while3A_418, %all_reduce_population_count3A : vector<16xi32>
        %convert_element_type3A_540 = arith.extui %and3A_530 : vector<16xi1> to vector<16xi32>
        %broadcast_in_dim3A_541 = arith.constant true
        %broadcast_in_dim3A_542 = vector.broadcast %broadcast_in_dim3A_541 : i1 to vector<16xi1>
        %masked_cumsum3A_543 = tpu.scan <sum>, %convert_element_type3A_540 masked %broadcast_in_dim3A_542 : vector<16xi32>, vector<16xi1> -> vector<16xi32>
        %add3A_544 = arith.addi %add3A_539, %masked_cumsum3A_543 : vector<16xi32>
        %sub3A_545 = arith.constant 1 : i32
        %sub3A_546 = vector.broadcast %sub3A_545 : i32 to vector<16xi32>
        %sub3A_547 = arith.subi %add3A_544, %sub3A_546 : vector<16xi32>
        tpu.vector_store_idx %arg22[%sub3A_547], %gather3A_515 masked %and3A_530 : memref<4112xi32, #tpu.memory_space<vmem>>[vector<16xi32>], vector<16xi32>, vector<16xi1>
        %all_reduce_population_count3A_548 = tpu.all_reduce %and3A_530 {dim = 0 : i64, kind = #tpu.reduction_kind<sum>} : vector<16xi1> -> vector<16xi32>
        %add3A_549 = arith.addi %add3A_539, %all_reduce_population_count3A_548 : vector<16xi32>
        scf.yield %add3A_549 : vector<16xi32>
      }
      %reduce_max3A_330 = arith.constant true
      %reduce_max3A_331 = vector.broadcast %reduce_max3A_330 : i1 to vector<16xi1>
      %reduce_max3A_332 = arith.constant -2147483648 : i32
      %reduce_max3A_333 = vector.broadcast %reduce_max3A_332 : i32 to vector<16xi32>
      %reduce_max3A_334 = arith.xori %while3A_329, %reduce_max3A_333 : vector<16xi32>
      %reduce_max3A_335 = tpu.scan <max>, %reduce_max3A_334 masked %reduce_max3A_331 : vector<16xi32>, vector<16xi1> -> vector<16xi32>
      %reduce_max3A_336 = arith.xori %reduce_max3A_335, %reduce_max3A_333 : vector<16xi32>
      %reduce_max3A_337 = vector.extract %reduce_max3A_336[15] : i32 from vector<16xi32>
      %add3A_338 = arith.constant 4097 : i32
      %add3A_339 = vector.broadcast %add3A_338 : i32 to vector<16xi32>
      %add3A_340 = arith.addi %min3A_54, %add3A_339 : vector<16xi32>
      %get3A = arith.constant 0 : index
      %get3A_341 = tpu.vector_load %arg22[%get3A] {strides = array<i32>} : memref<4112xi32, #tpu.memory_space<vmem>>, vector<16xi32>,
      %add3A_342 = arith.constant 0 : i32
      %add3A_343 = vector.broadcast %add3A_342 : i32 to vector<16xi32>
      %add3A_344 = arith.addi %add3A_343, %iota3A : vector<16xi32>
      %lt3A_345 = arith.cmpi slt, %add3A_344, %while3A_329 : vector<16xi32>
      %add3A_346 = arith.constant 4097 : i32
      %add3A_347 = vector.broadcast %add3A_346 : i32 to vector<16xi32>
      %add3A_348 = arith.addi %min3A_54, %add3A_347 : vector<16xi32>
      %select_n3A_349 = arith.select %lt3A_345, %get3A_341, %add3A_348 : vector<16xi1>, vector<16xi32>
      %masked_sort3A = arith.constant dense<true> : vector<16xi1>
      %masked_sort3A_350 = arith.constant -2147483648 : i32
      %masked_sort3A_351 = vector.broadcast %masked_sort3A_350 : i32 to vector<16xi32>
      %masked_sort3A_352 = arith.xori %select_n3A_349, %masked_sort3A_351 : vector<16xi32>
      %masked_sort3A_353, %masked_sort3A_354, %masked_sort3A_355 = tpu.sort %masked_sort3A_352, %select_n3A_349 masked %masked_sort3A : (vector<16xi32>, vector<16xi32>, vector<16xi1>) -> (vector<16xi1>, vector<16xi32>, vector<16xi32>)
      %masked_sort3A_356 = arith.xori %masked_sort3A_354, %masked_sort3A_351 : vector<16xi32>
      %add3A_357 = arith.constant 15 : i32
      %add3A_358 = arith.addi %reduce_max3A_337, %add3A_357 : i32
      %jit3A_359 = arith.constant 16 : i32
      %div3A_360 = arith.divsi %add3A_358, %jit3A_359 : i32
      %sign3A_361 = arith.constant 0 : i32
      %sign3A_362 = arith.cmpi sgt, %add3A_358, %sign3A_361 : i32
      %sign3A_363 = arith.extui %sign3A_362 : i1 to i32
      %sign3A_364 = arith.constant 0 : i32
      %sign3A_365 = arith.cmpi slt, %add3A_358, %sign3A_364 : i32
      %sign3A_366 = arith.extui %sign3A_365 : i1 to i32
      %sign3A_367 = arith.subi %sign3A_363, %sign3A_366 : i32
      %sign3A_368 = arith.constant 0 : i32
      %sign3A_369 = arith.cmpi sgt, %jit3A_359, %sign3A_368 : i32
      %sign3A_370 = arith.extui %sign3A_369 : i1 to i32
      %sign3A_371 = arith.constant 0 : i32
      %sign3A_372 = arith.cmpi slt, %jit3A_359, %sign3A_371 : i32
      %sign3A_373 = arith.extui %sign3A_372 : i1 to i32
      %sign3A_374 = arith.subi %sign3A_370, %sign3A_373 : i32
      %ne3A_375 = arith.cmpi ne, %sign3A_367, %sign3A_374 : i32
      %rem3A_376 = arith.remsi %add3A_358, %jit3A_359 : i32
      %ne3A_377 = arith.constant 0 : i32
      %ne3A_378 = arith.cmpi ne, %rem3A_376, %ne3A_377 : i32
      %and3A_379 = arith.andi %ne3A_375, %ne3A_378 : i1
      %sub3A_380 = arith.constant 1 : i32
      %sub3A_381 = arith.subi %div3A_360, %sub3A_380 : i32
      %select_n3A_382 = arith.select %and3A_379, %sub3A_381, %div3A_360 : i32
      %while3A_383 = arith.constant 1 : i32
      %while3A_384 = arith.subi %select_n3A_382, %while3A_383 : i32
      %while3A_385 = arith.addi %while3A_383, %while3A_384 : i32
      %while3A_386 = arith.constant 1 : i32
      %while3A_387 = arith.divsi %while3A_384, %while3A_386 : i32
      %while3A_388 = arith.muli %while3A_387, %while3A_386 : i32
      %while3A_389 = arith.addi %while3A_383, %while3A_388 : i32
      %while3A_390 = arith.constant 1 : i32
      %while3A_391:2 = scf.for %while3A_417 = %while3A_383 to %while3A_389 step %while3A_390 iter_args(%while3A_418 = %masked_sort3A_356, %while3A_419 = %add3A_340) -> (vector<16xi32>, vector<16xi32>)  : i32 {
        %mul3A_420 = arith.constant 16 : i32
        %mul3A_421 = arith.muli %while3A_417, %mul3A_420 : i32
        %get3A_422 = arith.index_cast %mul3A_421 : i32 to index
        %get3A_423 = tpu.vector_load %arg22[%get3A_422] {strides = array<i32>} : memref<4112xi32, #tpu.memory_space<vmem>>, vector<16xi32>,
        %mul3A_424 = arith.constant 16 : i32
        %mul3A_425 = arith.muli %while3A_417, %mul3A_424 : i32
        %add3A_426 = vector.broadcast %mul3A_425 : i32 to vector<16xi32>
        %add3A_427 = arith.addi %add3A_426, %iota3A : vector<16xi32>
        %lt3A_428 = arith.cmpi slt, %add3A_427, %while3A_329 : vector<16xi32>
        %add3A_429 = arith.constant 4097 : i32
        %add3A_430 = vector.broadcast %add3A_429 : i32 to vector<16xi32>
        %add3A_431 = arith.addi %min3A_54, %add3A_430 : vector<16xi32>
        %select_n3A_432 = arith.select %lt3A_428, %get3A_423, %add3A_431 : vector<16xi1>, vector<16xi32>
        %masked_sort3A_433 = arith.constant dense<true> : vector<16xi1>
        %masked_sort3A_434 = arith.constant -2147483648 : i32
        %masked_sort3A_435 = vector.broadcast %masked_sort3A_434 : i32 to vector<16xi32>
        %masked_sort3A_436 = arith.xori %select_n3A_432, %masked_sort3A_435 : vector<16xi32>
        %masked_sort3A_437, %masked_sort3A_438, %masked_sort3A_439 = tpu.sort %masked_sort3A_436, %select_n3A_432 masked %masked_sort3A_433 : (vector<16xi32>, vector<16xi32>, vector<16xi1>) -> (vector<16xi1>, vector<16xi32>, vector<16xi32>)
        %masked_sort3A_440 = arith.xori %masked_sort3A_438, %masked_sort3A_435 : vector<16xi32>
        %sub3A_441 = arith.constant 15 : i32
        %sub3A_442 = vector.broadcast %sub3A_441 : i32 to vector<16xi32>
        %sub3A_443 = arith.subi %sub3A_442, %iota3A : vector<16xi32>
        %broadcast_in_dim3A_444 = vector.shape_cast %sub3A_443 : vector<16xi32> to vector<16x1xi32>
        %gather3A_445 = vector.shape_cast %broadcast_in_dim3A_444 : vector<16x1xi32> to vector<16xi32>
        %gather3A_446 = tpu.dynamic_gather %masked_sort3A_440[%gather3A_445] in [0] : vector<16xi32>, vector<16xi32> -> vector<16xi32>
        %min3A_447 = arith.minsi %while3A_419, %gather3A_446 : vector<16xi32>
        %xor3A = arith.constant 8 : i32
        %xor3A_448 = vector.broadcast %xor3A : i32 to vector<16xi32>
        %xor3A_449 = arith.xori %iota3A, %xor3A_448 : vector<16xi32>
        %broadcast_in_dim3A_450 = vector.shape_cast %xor3A_449 : vector<16xi32> to vector<16x1xi32>
        %gather3A_451 = vector.shape_cast %broadcast_in_dim3A_450 : vector<16x1xi32> to vector<16xi32>
        %gather3A_452 = tpu.dynamic_gather %min3A_447[%gather3A_451] in [0] : vector<16xi32>, vector<16xi32> -> vector<16xi32>
        %and3A_453 = arith.constant 8 : i32
        %and3A_454 = vector.broadcast %and3A_453 : i32 to vector<16xi32>
        %and3A_455 = arith.andi %iota3A, %and3A_454 : vector<16xi32>
        %eq3A = arith.constant 0 : i32
        %eq3A_456 = vector.broadcast %eq3A : i32 to vector<16xi32>
        %eq3A_457 = arith.cmpi eq, %and3A_455, %eq3A_456 : vector<16xi32>
        %min3A_458 = arith.minsi %min3A_447, %gather3A_452 : vector<16xi32>
        %max3A_459 = arith.maxsi %min3A_447, %gather3A_452 : vector<16xi32>
        %select_n3A_460 = arith.select %eq3A_457, %min3A_458, %max3A_459 : vector<16xi1>, vector<16xi32>
        %xor3A_461 = arith.constant 4 : i32
        %xor3A_462 = vector.broadcast %xor3A_461 : i32 to vector<16xi32>
        %xor3A_463 = arith.xori %iota3A, %xor3A_462 : vector<16xi32>
        %broadcast_in_dim3A_464 = vector.shape_cast %xor3A_463 : vector<16xi32> to vector<16x1xi32>
        %gather3A_465 = vector.shape_cast %broadcast_in_dim3A_464 : vector<16x1xi32> to vector<16xi32>
        %gather3A_466 = tpu.dynamic_gather %select_n3A_460[%gather3A_465] in [0] : vector<16xi32>, vector<16xi32> -> vector<16xi32>
        %and3A_467 = arith.constant 4 : i32
        %and3A_468 = vector.broadcast %and3A_467 : i32 to vector<16xi32>
        %and3A_469 = arith.andi %iota3A, %and3A_468 : vector<16xi32>
        %eq3A_470 = arith.constant 0 : i32
        %eq3A_471 = vector.broadcast %eq3A_470 : i32 to vector<16xi32>
        %eq3A_472 = arith.cmpi eq, %and3A_469, %eq3A_471 : vector<16xi32>
        %min3A_473 = arith.minsi %select_n3A_460, %gather3A_466 : vector<16xi32>
        %max3A_474 = arith.maxsi %select_n3A_460, %gather3A_466 : vector<16xi32>
        %select_n3A_475 = arith.select %eq3A_472, %min3A_473, %max3A_474 : vector<16xi1>, vector<16xi32>
        %xor3A_476 = arith.constant 2 : i32
        %xor3A_477 = vector.broadcast %xor3A_476 : i32 to vector<16xi32>
        %xor3A_478 = arith.xori %iota3A, %xor3A_477 : vector<16xi32>
        %broadcast_in_dim3A_479 = vector.shape_cast %xor3A_478 : vector<16xi32> to vector<16x1xi32>
        %gather3A_480 = vector.shape_cast %broadcast_in_dim3A_479 : vector<16x1xi32> to vector<16xi32>
        %gather3A_481 = tpu.dynamic_gather %select_n3A_475[%gather3A_480] in [0] : vector<16xi32>, vector<16xi32> -> vector<16xi32>
        %and3A_482 = arith.constant 2 : i32
        %and3A_483 = vector.broadcast %and3A_482 : i32 to vector<16xi32>
        %and3A_484 = arith.andi %iota3A, %and3A_483 : vector<16xi32>
        %eq3A_485 = arith.constant 0 : i32
        %eq3A_486 = vector.broadcast %eq3A_485 : i32 to vector<16xi32>
        %eq3A_487 = arith.cmpi eq, %and3A_484, %eq3A_486 : vector<16xi32>
        %min3A_488 = arith.minsi %select_n3A_475, %gather3A_481 : vector<16xi32>
        %max3A_489 = arith.maxsi %select_n3A_475, %gather3A_481 : vector<16xi32>
        %select_n3A_490 = arith.select %eq3A_487, %min3A_488, %max3A_489 : vector<16xi1>, vector<16xi32>
        %xor3A_491 = arith.constant 1 : i32
        %xor3A_492 = vector.broadcast %xor3A_491 : i32 to vector<16xi32>
        %xor3A_493 = arith.xori %iota3A, %xor3A_492 : vector<16xi32>
        %broadcast_in_dim3A_494 = vector.shape_cast %xor3A_493 : vector<16xi32> to vector<16x1xi32>
        %gather3A_495 = vector.shape_cast %broadcast_in_dim3A_494 : vector<16x1xi32> to vector<16xi32>
        %gather3A_496 = tpu.dynamic_gather %select_n3A_490[%gather3A_495] in [0] : vector<16xi32>, vector<16xi32> -> vector<16xi32>
        %and3A_497 = arith.constant 1 : i32
        %and3A_498 = vector.broadcast %and3A_497 : i32 to vector<16xi32>
        %and3A_499 = arith.andi %iota3A, %and3A_498 : vector<16xi32>
        %eq3A_500 = arith.constant 0 : i32
        %eq3A_501 = vector.broadcast %eq3A_500 : i32 to vector<16xi32>
        %eq3A_502 = arith.cmpi eq, %and3A_499, %eq3A_501 : vector<16xi32>
        %min3A_503 = arith.minsi %select_n3A_490, %gather3A_496 : vector<16xi32>
        %max3A_504 = arith.maxsi %select_n3A_490, %gather3A_496 : vector<16xi32>
        %select_n3A_505 = arith.select %eq3A_502, %min3A_503, %max3A_504 : vector<16xi1>, vector<16xi32>
        %max3A_506 = arith.maxsi %while3A_419, %gather3A_446 : vector<16xi32>
        %xor3A_507 = arith.constant 8 : i32
        %xor3A_508 = vector.broadcast %xor3A_507 : i32 to vector<16xi32>
        %xor3A_509 = arith.xori %iota3A, %xor3A_508 : vector<16xi32>
        %broadcast_in_dim3A_510 = vector.shape_cast %xor3A_509 : vector<16xi32> to vector<16x1xi32>
        %gather3A_511 = vector.shape_cast %broadcast_in_dim3A_510 : vector<16x1xi32> to vector<16xi32>
        %gather3A_512 = tpu.dynamic_gather %max3A_506[%gather3A_511] in [0] : vector<16xi32>, vector<16xi32> -> vector<16xi32>
        %and3A_513 = arith.constant 8 : i32
        %and3A_514 = vector.broadcast %and3A_513 : i32 to vector<16xi32>
        %and3A_515 = arith.andi %iota3A, %and3A_514 : vector<16xi32>
        %eq3A_516 = arith.constant 0 : i32
        %eq3A_517 = vector.broadcast %eq3A_516 : i32 to vector<16xi32>
        %eq3A_518 = arith.cmpi eq, %and3A_515, %eq3A_517 : vector<16xi32>
        %min3A_519 = arith.minsi %max3A_506, %gather3A_512 : vector<16xi32>
        %max3A_520 = arith.maxsi %max3A_506, %gather3A_512 : vector<16xi32>
        %select_n3A_521 = arith.select %eq3A_518, %min3A_519, %max3A_520 : vector<16xi1>, vector<16xi32>
        %xor3A_522 = arith.constant 4 : i32
        %xor3A_523 = vector.broadcast %xor3A_522 : i32 to vector<16xi32>
        %xor3A_524 = arith.xori %iota3A, %xor3A_523 : vector<16xi32>
        %broadcast_in_dim3A_525 = vector.shape_cast %xor3A_524 : vector<16xi32> to vector<16x1xi32>
        %gather3A_526 = vector.shape_cast %broadcast_in_dim3A_525 : vector<16x1xi32> to vector<16xi32>
        %gather3A_527 = tpu.dynamic_gather %select_n3A_521[%gather3A_526] in [0] : vector<16xi32>, vector<16xi32> -> vector<16xi32>
        %and3A_528 = arith.constant 4 : i32
        %and3A_529 = vector.broadcast %and3A_528 : i32 to vector<16xi32>
        %and3A_530 = arith.andi %iota3A, %and3A_529 : vector<16xi32>
        %eq3A_531 = arith.constant 0 : i32
        %eq3A_532 = vector.broadcast %eq3A_531 : i32 to vector<16xi32>
        %eq3A_533 = arith.cmpi eq, %and3A_530, %eq3A_532 : vector<16xi32>
        %min3A_534 = arith.minsi %select_n3A_521, %gather3A_527 : vector<16xi32>
        %max3A_535 = arith.maxsi %select_n3A_521, %gather3A_527 : vector<16xi32>
        %select_n3A_536 = arith.select %eq3A_533, %min3A_534, %max3A_535 : vector<16xi1>, vector<16xi32>
        %xor3A_537 = arith.constant 2 : i32
        %xor3A_538 = vector.broadcast %xor3A_537 : i32 to vector<16xi32>
        %xor3A_539 = arith.xori %iota3A, %xor3A_538 : vector<16xi32>
        %broadcast_in_dim3A_540 = vector.shape_cast %xor3A_539 : vector<16xi32> to vector<16x1xi32>
        %gather3A_541 = vector.shape_cast %broadcast_in_dim3A_540 : vector<16x1xi32> to vector<16xi32>
        %gather3A_542 = tpu.dynamic_gather %select_n3A_536[%gather3A_541] in [0] : vector<16xi32>, vector<16xi32> -> vector<16xi32>
        %and3A_543 = arith.constant 2 : i32
        %and3A_544 = vector.broadcast %and3A_543 : i32 to vector<16xi32>
        %and3A_545 = arith.andi %iota3A, %and3A_544 : vector<16xi32>
        %eq3A_546 = arith.constant 0 : i32
        %eq3A_547 = vector.broadcast %eq3A_546 : i32 to vector<16xi32>
        %eq3A_548 = arith.cmpi eq, %and3A_545, %eq3A_547 : vector<16xi32>
        %min3A_549 = arith.minsi %select_n3A_536, %gather3A_542 : vector<16xi32>
        %max3A_550 = arith.maxsi %select_n3A_536, %gather3A_542 : vector<16xi32>
        %select_n3A_551 = arith.select %eq3A_548, %min3A_549, %max3A_550 : vector<16xi1>, vector<16xi32>
        %xor3A_552 = arith.constant 1 : i32
        %xor3A_553 = vector.broadcast %xor3A_552 : i32 to vector<16xi32>
        %xor3A_554 = arith.xori %iota3A, %xor3A_553 : vector<16xi32>
        %broadcast_in_dim3A_555 = vector.shape_cast %xor3A_554 : vector<16xi32> to vector<16x1xi32>
        %gather3A_556 = vector.shape_cast %broadcast_in_dim3A_555 : vector<16x1xi32> to vector<16xi32>
        %gather3A_557 = tpu.dynamic_gather %select_n3A_551[%gather3A_556] in [0] : vector<16xi32>, vector<16xi32> -> vector<16xi32>
        %and3A_558 = arith.constant 1 : i32
        %and3A_559 = vector.broadcast %and3A_558 : i32 to vector<16xi32>
        %and3A_560 = arith.andi %iota3A, %and3A_559 : vector<16xi32>
        %eq3A_561 = arith.constant 0 : i32
        %eq3A_562 = vector.broadcast %eq3A_561 : i32 to vector<16xi32>
        %eq3A_563 = arith.cmpi eq, %and3A_560, %eq3A_562 : vector<16xi32>
        %min3A_564 = arith.minsi %select_n3A_551, %gather3A_557 : vector<16xi32>
        %max3A_565 = arith.maxsi %select_n3A_551, %gather3A_557 : vector<16xi32>
        %select_n3A_566 = arith.select %eq3A_563, %min3A_564, %max3A_565 : vector<16xi1>, vector<16xi32>
        %sub3A_567 = arith.constant 15 : i32
        %sub3A_568 = vector.broadcast %sub3A_567 : i32 to vector<16xi32>
        %sub3A_569 = arith.subi %sub3A_568, %iota3A : vector<16xi32>
        %broadcast_in_dim3A_570 = vector.shape_cast %sub3A_569 : vector<16xi32> to vector<16x1xi32>
        %gather3A_571 = vector.shape_cast %broadcast_in_dim3A_570 : vector<16x1xi32> to vector<16xi32>
        %gather3A_572 = tpu.dynamic_gather %select_n3A_505[%gather3A_571] in [0] : vector<16xi32>, vector<16xi32> -> vector<16xi32>
        %min3A_573 = arith.minsi %while3A_418, %gather3A_572 : vector<16xi32>
        %xor3A_574 = arith.constant 8 : i32
        %xor3A_575 = vector.broadcast %xor3A_574 : i32 to vector<16xi32>
        %xor3A_576 = arith.xori %iota3A, %xor3A_575 : vector<16xi32>
        %broadcast_in_dim3A_577 = vector.shape_cast %xor3A_576 : vector<16xi32> to vector<16x1xi32>
        %gather3A_578 = vector.shape_cast %broadcast_in_dim3A_577 : vector<16x1xi32> to vector<16xi32>
        %gather3A_579 = tpu.dynamic_gather %min3A_573[%gather3A_578] in [0] : vector<16xi32>, vector<16xi32> -> vector<16xi32>
        %and3A_580 = arith.constant 8 : i32
        %and3A_581 = vector.broadcast %and3A_580 : i32 to vector<16xi32>
        %and3A_582 = arith.andi %iota3A, %and3A_581 : vector<16xi32>
        %eq3A_583 = arith.constant 0 : i32
        %eq3A_584 = vector.broadcast %eq3A_583 : i32 to vector<16xi32>
        %eq3A_585 = arith.cmpi eq, %and3A_582, %eq3A_584 : vector<16xi32>
        %min3A_586 = arith.minsi %min3A_573, %gather3A_579 : vector<16xi32>
        %max3A_587 = arith.maxsi %min3A_573, %gather3A_579 : vector<16xi32>
        %select_n3A_588 = arith.select %eq3A_585, %min3A_586, %max3A_587 : vector<16xi1>, vector<16xi32>
        %xor3A_589 = arith.constant 4 : i32
        %xor3A_590 = vector.broadcast %xor3A_589 : i32 to vector<16xi32>
        %xor3A_591 = arith.xori %iota3A, %xor3A_590 : vector<16xi32>
        %broadcast_in_dim3A_592 = vector.shape_cast %xor3A_591 : vector<16xi32> to vector<16x1xi32>
        %gather3A_593 = vector.shape_cast %broadcast_in_dim3A_592 : vector<16x1xi32> to vector<16xi32>
        %gather3A_594 = tpu.dynamic_gather %select_n3A_588[%gather3A_593] in [0] : vector<16xi32>, vector<16xi32> -> vector<16xi32>
        %and3A_595 = arith.constant 4 : i32
        %and3A_596 = vector.broadcast %and3A_595 : i32 to vector<16xi32>
        %and3A_597 = arith.andi %iota3A, %and3A_596 : vector<16xi32>
        %eq3A_598 = arith.constant 0 : i32
        %eq3A_599 = vector.broadcast %eq3A_598 : i32 to vector<16xi32>
        %eq3A_600 = arith.cmpi eq, %and3A_597, %eq3A_599 : vector<16xi32>
        %min3A_601 = arith.minsi %select_n3A_588, %gather3A_594 : vector<16xi32>
        %max3A_602 = arith.maxsi %select_n3A_588, %gather3A_594 : vector<16xi32>
        %select_n3A_603 = arith.select %eq3A_600, %min3A_601, %max3A_602 : vector<16xi1>, vector<16xi32>
        %xor3A_604 = arith.constant 2 : i32
        %xor3A_605 = vector.broadcast %xor3A_604 : i32 to vector<16xi32>
        %xor3A_606 = arith.xori %iota3A, %xor3A_605 : vector<16xi32>
        %broadcast_in_dim3A_607 = vector.shape_cast %xor3A_606 : vector<16xi32> to vector<16x1xi32>
        %gather3A_608 = vector.shape_cast %broadcast_in_dim3A_607 : vector<16x1xi32> to vector<16xi32>
        %gather3A_609 = tpu.dynamic_gather %select_n3A_603[%gather3A_608] in [0] : vector<16xi32>, vector<16xi32> -> vector<16xi32>
        %and3A_610 = arith.constant 2 : i32
        %and3A_611 = vector.broadcast %and3A_610 : i32 to vector<16xi32>
        %and3A_612 = arith.andi %iota3A, %and3A_611 : vector<16xi32>
        %eq3A_613 = arith.constant 0 : i32
        %eq3A_614 = vector.broadcast %eq3A_613 : i32 to vector<16xi32>
        %eq3A_615 = arith.cmpi eq, %and3A_612, %eq3A_614 : vector<16xi32>
        %min3A_616 = arith.minsi %select_n3A_603, %gather3A_609 : vector<16xi32>
        %max3A_617 = arith.maxsi %select_n3A_603, %gather3A_609 : vector<16xi32>
        %select_n3A_618 = arith.select %eq3A_615, %min3A_616, %max3A_617 : vector<16xi1>, vector<16xi32>
        %xor3A_619 = arith.constant 1 : i32
        %xor3A_620 = vector.broadcast %xor3A_619 : i32 to vector<16xi32>
        %xor3A_621 = arith.xori %iota3A, %xor3A_620 : vector<16xi32>
        %broadcast_in_dim3A_622 = vector.shape_cast %xor3A_621 : vector<16xi32> to vector<16x1xi32>
        %gather3A_623 = vector.shape_cast %broadcast_in_dim3A_622 : vector<16x1xi32> to vector<16xi32>
        %gather3A_624 = tpu.dynamic_gather %select_n3A_618[%gather3A_623] in [0] : vector<16xi32>, vector<16xi32> -> vector<16xi32>
        %and3A_625 = arith.constant 1 : i32
        %and3A_626 = vector.broadcast %and3A_625 : i32 to vector<16xi32>
        %and3A_627 = arith.andi %iota3A, %and3A_626 : vector<16xi32>
        %eq3A_628 = arith.constant 0 : i32
        %eq3A_629 = vector.broadcast %eq3A_628 : i32 to vector<16xi32>
        %eq3A_630 = arith.cmpi eq, %and3A_627, %eq3A_629 : vector<16xi32>
        %min3A_631 = arith.minsi %select_n3A_618, %gather3A_624 : vector<16xi32>
        %max3A_632 = arith.maxsi %select_n3A_618, %gather3A_624 : vector<16xi32>
        %select_n3A_633 = arith.select %eq3A_630, %min3A_631, %max3A_632 : vector<16xi1>, vector<16xi32>
        %max3A_634 = arith.maxsi %while3A_418, %gather3A_572 : vector<16xi32>
        %xor3A_635 = arith.constant 8 : i32
        %xor3A_636 = vector.broadcast %xor3A_635 : i32 to vector<16xi32>
        %xor3A_637 = arith.xori %iota3A, %xor3A_636 : vector<16xi32>
        %broadcast_in_dim3A_638 = vector.shape_cast %xor3A_637 : vector<16xi32> to vector<16x1xi32>
        %gather3A_639 = vector.shape_cast %broadcast_in_dim3A_638 : vector<16x1xi32> to vector<16xi32>
        %gather3A_640 = tpu.dynamic_gather %max3A_634[%gather3A_639] in [0] : vector<16xi32>, vector<16xi32> -> vector<16xi32>
        %and3A_641 = arith.constant 8 : i32
        %and3A_642 = vector.broadcast %and3A_641 : i32 to vector<16xi32>
        %and3A_643 = arith.andi %iota3A, %and3A_642 : vector<16xi32>
        %eq3A_644 = arith.constant 0 : i32
        %eq3A_645 = vector.broadcast %eq3A_644 : i32 to vector<16xi32>
        %eq3A_646 = arith.cmpi eq, %and3A_643, %eq3A_645 : vector<16xi32>
        %min3A_647 = arith.minsi %max3A_634, %gather3A_640 : vector<16xi32>
        %max3A_648 = arith.maxsi %max3A_634, %gather3A_640 : vector<16xi32>
        %select_n3A_649 = arith.select %eq3A_646, %min3A_647, %max3A_648 : vector<16xi1>, vector<16xi32>
        %xor3A_650 = arith.constant 4 : i32
        %xor3A_651 = vector.broadcast %xor3A_650 : i32 to vector<16xi32>
        %xor3A_652 = arith.xori %iota3A, %xor3A_651 : vector<16xi32>
        %broadcast_in_dim3A_653 = vector.shape_cast %xor3A_652 : vector<16xi32> to vector<16x1xi32>
        %gather3A_654 = vector.shape_cast %broadcast_in_dim3A_653 : vector<16x1xi32> to vector<16xi32>
        %gather3A_655 = tpu.dynamic_gather %select_n3A_649[%gather3A_654] in [0] : vector<16xi32>, vector<16xi32> -> vector<16xi32>
        %and3A_656 = arith.constant 4 : i32
        %and3A_657 = vector.broadcast %and3A_656 : i32 to vector<16xi32>
        %and3A_658 = arith.andi %iota3A, %and3A_657 : vector<16xi32>
        %eq3A_659 = arith.constant 0 : i32
        %eq3A_660 = vector.broadcast %eq3A_659 : i32 to vector<16xi32>
        %eq3A_661 = arith.cmpi eq, %and3A_658, %eq3A_660 : vector<16xi32>
        %min3A_662 = arith.minsi %select_n3A_649, %gather3A_655 : vector<16xi32>
        %max3A_663 = arith.maxsi %select_n3A_649, %gather3A_655 : vector<16xi32>
        %select_n3A_664 = arith.select %eq3A_661, %min3A_662, %max3A_663 : vector<16xi1>, vector<16xi32>
        %xor3A_665 = arith.constant 2 : i32
        %xor3A_666 = vector.broadcast %xor3A_665 : i32 to vector<16xi32>
        %xor3A_667 = arith.xori %iota3A, %xor3A_666 : vector<16xi32>
        %broadcast_in_dim3A_668 = vector.shape_cast %xor3A_667 : vector<16xi32> to vector<16x1xi32>
        %gather3A_669 = vector.shape_cast %broadcast_in_dim3A_668 : vector<16x1xi32> to vector<16xi32>
        %gather3A_670 = tpu.dynamic_gather %select_n3A_664[%gather3A_669] in [0] : vector<16xi32>, vector<16xi32> -> vector<16xi32>
        %and3A_671 = arith.constant 2 : i32
        %and3A_672 = vector.broadcast %and3A_671 : i32 to vector<16xi32>
        %and3A_673 = arith.andi %iota3A, %and3A_672 : vector<16xi32>
        %eq3A_674 = arith.constant 0 : i32
        %eq3A_675 = vector.broadcast %eq3A_674 : i32 to vector<16xi32>
        %eq3A_676 = arith.cmpi eq, %and3A_673, %eq3A_675 : vector<16xi32>
        %min3A_677 = arith.minsi %select_n3A_664, %gather3A_670 : vector<16xi32>
        %max3A_678 = arith.maxsi %select_n3A_664, %gather3A_670 : vector<16xi32>
        %select_n3A_679 = arith.select %eq3A_676, %min3A_677, %max3A_678 : vector<16xi1>, vector<16xi32>
        %xor3A_680 = arith.constant 1 : i32
        %xor3A_681 = vector.broadcast %xor3A_680 : i32 to vector<16xi32>
        %xor3A_682 = arith.xori %iota3A, %xor3A_681 : vector<16xi32>
        %broadcast_in_dim3A_683 = vector.shape_cast %xor3A_682 : vector<16xi32> to vector<16x1xi32>
        %gather3A_684 = vector.shape_cast %broadcast_in_dim3A_683 : vector<16x1xi32> to vector<16xi32>
        %gather3A_685 = tpu.dynamic_gather %select_n3A_679[%gather3A_684] in [0] : vector<16xi32>, vector<16xi32> -> vector<16xi32>
        %and3A_686 = arith.constant 1 : i32
        %and3A_687 = vector.broadcast %and3A_686 : i32 to vector<16xi32>
        %and3A_688 = arith.andi %iota3A, %and3A_687 : vector<16xi32>
        %eq3A_689 = arith.constant 0 : i32
        %eq3A_690 = vector.broadcast %eq3A_689 : i32 to vector<16xi32>
        %eq3A_691 = arith.cmpi eq, %and3A_688, %eq3A_690 : vector<16xi32>
        %min3A_692 = arith.minsi %select_n3A_679, %gather3A_685 : vector<16xi32>
        %max3A_693 = arith.maxsi %select_n3A_679, %gather3A_685 : vector<16xi32>
        %select_n3A_694 = arith.select %eq3A_691, %min3A_692, %max3A_693 : vector<16xi1>, vector<16xi32>
        scf.yield %select_n3A_633, %select_n3A_694 : vector<16xi32>, vector<16xi32>
      }
      %while3A_392 = arith.constant 1 : i32
      %while3A_393:2 = scf.for %while3A_417 = %while3A_389 to %while3A_385 step %while3A_392 iter_args(%while3A_418 = %while3A_391#0, %while3A_419 = %while3A_391#1) -> (vector<16xi32>, vector<16xi32>)  : i32 {
        %mul3A_420 = arith.constant 16 : i32
        %mul3A_421 = arith.muli %while3A_417, %mul3A_420 : i32
        %get3A_422 = arith.index_cast %mul3A_421 : i32 to index
        %get3A_423 = tpu.vector_load %arg22[%get3A_422] {strides = array<i32>} : memref<4112xi32, #tpu.memory_space<vmem>>, vector<16xi32>,
        %mul3A_424 = arith.constant 16 : i32
        %mul3A_425 = arith.muli %while3A_417, %mul3A_424 : i32
        %add3A_426 = vector.broadcast %mul3A_425 : i32 to vector<16xi32>
        %add3A_427 = arith.addi %add3A_426, %iota3A : vector<16xi32>
        %lt3A_428 = arith.cmpi slt, %add3A_427, %while3A_329 : vector<16xi32>
        %add3A_429 = arith.constant 4097 : i32
        %add3A_430 = vector.broadcast %add3A_429 : i32 to vector<16xi32>
        %add3A_431 = arith.addi %min3A_54, %add3A_430 : vector<16xi32>
        %select_n3A_432 = arith.select %lt3A_428, %get3A_423, %add3A_431 : vector<16xi1>, vector<16xi32>
        %masked_sort3A_433 = arith.constant dense<true> : vector<16xi1>
        %masked_sort3A_434 = arith.constant -2147483648 : i32
        %masked_sort3A_435 = vector.broadcast %masked_sort3A_434 : i32 to vector<16xi32>
        %masked_sort3A_436 = arith.xori %select_n3A_432, %masked_sort3A_435 : vector<16xi32>
        %masked_sort3A_437, %masked_sort3A_438, %masked_sort3A_439 = tpu.sort %masked_sort3A_436, %select_n3A_432 masked %masked_sort3A_433 : (vector<16xi32>, vector<16xi32>, vector<16xi1>) -> (vector<16xi1>, vector<16xi32>, vector<16xi32>)
        %masked_sort3A_440 = arith.xori %masked_sort3A_438, %masked_sort3A_435 : vector<16xi32>
        %sub3A_441 = arith.constant 15 : i32
        %sub3A_442 = vector.broadcast %sub3A_441 : i32 to vector<16xi32>
        %sub3A_443 = arith.subi %sub3A_442, %iota3A : vector<16xi32>
        %broadcast_in_dim3A_444 = vector.shape_cast %sub3A_443 : vector<16xi32> to vector<16x1xi32>
        %gather3A_445 = vector.shape_cast %broadcast_in_dim3A_444 : vector<16x1xi32> to vector<16xi32>
        %gather3A_446 = tpu.dynamic_gather %masked_sort3A_440[%gather3A_445] in [0] : vector<16xi32>, vector<16xi32> -> vector<16xi32>
        %min3A_447 = arith.minsi %while3A_419, %gather3A_446 : vector<16xi32>
        %xor3A = arith.constant 8 : i32
        %xor3A_448 = vector.broadcast %xor3A : i32 to vector<16xi32>
        %xor3A_449 = arith.xori %iota3A, %xor3A_448 : vector<16xi32>
        %broadcast_in_dim3A_450 = vector.shape_cast %xor3A_449 : vector<16xi32> to vector<16x1xi32>
        %gather3A_451 = vector.shape_cast %broadcast_in_dim3A_450 : vector<16x1xi32> to vector<16xi32>
        %gather3A_452 = tpu.dynamic_gather %min3A_447[%gather3A_451] in [0] : vector<16xi32>, vector<16xi32> -> vector<16xi32>
        %and3A_453 = arith.constant 8 : i32
        %and3A_454 = vector.broadcast %and3A_453 : i32 to vector<16xi32>
        %and3A_455 = arith.andi %iota3A, %and3A_454 : vector<16xi32>
        %eq3A = arith.constant 0 : i32
        %eq3A_456 = vector.broadcast %eq3A : i32 to vector<16xi32>
        %eq3A_457 = arith.cmpi eq, %and3A_455, %eq3A_456 : vector<16xi32>
        %min3A_458 = arith.minsi %min3A_447, %gather3A_452 : vector<16xi32>
        %max3A_459 = arith.maxsi %min3A_447, %gather3A_452 : vector<16xi32>
        %select_n3A_460 = arith.select %eq3A_457, %min3A_458, %max3A_459 : vector<16xi1>, vector<16xi32>
        %xor3A_461 = arith.constant 4 : i32
        %xor3A_462 = vector.broadcast %xor3A_461 : i32 to vector<16xi32>
        %xor3A_463 = arith.xori %iota3A, %xor3A_462 : vector<16xi32>
        %broadcast_in_dim3A_464 = vector.shape_cast %xor3A_463 : vector<16xi32> to vector<16x1xi32>
        %gather3A_465 = vector.shape_cast %broadcast_in_dim3A_464 : vector<16x1xi32> to vector<16xi32>
        %gather3A_466 = tpu.dynamic_gather %select_n3A_460[%gather3A_465] in [0] : vector<16xi32>, vector<16xi32> -> vector<16xi32>
        %and3A_467 = arith.constant 4 : i32
        %and3A_468 = vector.broadcast %and3A_467 : i32 to vector<16xi32>
        %and3A_469 = arith.andi %iota3A, %and3A_468 : vector<16xi32>
        %eq3A_470 = arith.constant 0 : i32
        %eq3A_471 = vector.broadcast %eq3A_470 : i32 to vector<16xi32>
        %eq3A_472 = arith.cmpi eq, %and3A_469, %eq3A_471 : vector<16xi32>
        %min3A_473 = arith.minsi %select_n3A_460, %gather3A_466 : vector<16xi32>
        %max3A_474 = arith.maxsi %select_n3A_460, %gather3A_466 : vector<16xi32>
        %select_n3A_475 = arith.select %eq3A_472, %min3A_473, %max3A_474 : vector<16xi1>, vector<16xi32>
        %xor3A_476 = arith.constant 2 : i32
        %xor3A_477 = vector.broadcast %xor3A_476 : i32 to vector<16xi32>
        %xor3A_478 = arith.xori %iota3A, %xor3A_477 : vector<16xi32>
        %broadcast_in_dim3A_479 = vector.shape_cast %xor3A_478 : vector<16xi32> to vector<16x1xi32>
        %gather3A_480 = vector.shape_cast %broadcast_in_dim3A_479 : vector<16x1xi32> to vector<16xi32>
        %gather3A_481 = tpu.dynamic_gather %select_n3A_475[%gather3A_480] in [0] : vector<16xi32>, vector<16xi32> -> vector<16xi32>
        %and3A_482 = arith.constant 2 : i32
        %and3A_483 = vector.broadcast %and3A_482 : i32 to vector<16xi32>
        %and3A_484 = arith.andi %iota3A, %and3A_483 : vector<16xi32>
        %eq3A_485 = arith.constant 0 : i32
        %eq3A_486 = vector.broadcast %eq3A_485 : i32 to vector<16xi32>
        %eq3A_487 = arith.cmpi eq, %and3A_484, %eq3A_486 : vector<16xi32>
        %min3A_488 = arith.minsi %select_n3A_475, %gather3A_481 : vector<16xi32>
        %max3A_489 = arith.maxsi %select_n3A_475, %gather3A_481 : vector<16xi32>
        %select_n3A_490 = arith.select %eq3A_487, %min3A_488, %max3A_489 : vector<16xi1>, vector<16xi32>
        %xor3A_491 = arith.constant 1 : i32
        %xor3A_492 = vector.broadcast %xor3A_491 : i32 to vector<16xi32>
        %xor3A_493 = arith.xori %iota3A, %xor3A_492 : vector<16xi32>
        %broadcast_in_dim3A_494 = vector.shape_cast %xor3A_493 : vector<16xi32> to vector<16x1xi32>
        %gather3A_495 = vector.shape_cast %broadcast_in_dim3A_494 : vector<16x1xi32> to vector<16xi32>
        %gather3A_496 = tpu.dynamic_gather %select_n3A_490[%gather3A_495] in [0] : vector<16xi32>, vector<16xi32> -> vector<16xi32>
        %and3A_497 = arith.constant 1 : i32
        %and3A_498 = vector.broadcast %and3A_497 : i32 to vector<16xi32>
        %and3A_499 = arith.andi %iota3A, %and3A_498 : vector<16xi32>
        %eq3A_500 = arith.constant 0 : i32
        %eq3A_501 = vector.broadcast %eq3A_500 : i32 to vector<16xi32>
        %eq3A_502 = arith.cmpi eq, %and3A_499, %eq3A_501 : vector<16xi32>
        %min3A_503 = arith.minsi %select_n3A_490, %gather3A_496 : vector<16xi32>
        %max3A_504 = arith.maxsi %select_n3A_490, %gather3A_496 : vector<16xi32>
        %select_n3A_505 = arith.select %eq3A_502, %min3A_503, %max3A_504 : vector<16xi1>, vector<16xi32>
        %max3A_506 = arith.maxsi %while3A_419, %gather3A_446 : vector<16xi32>
        %xor3A_507 = arith.constant 8 : i32
        %xor3A_508 = vector.broadcast %xor3A_507 : i32 to vector<16xi32>
        %xor3A_509 = arith.xori %iota3A, %xor3A_508 : vector<16xi32>
        %broadcast_in_dim3A_510 = vector.shape_cast %xor3A_509 : vector<16xi32> to vector<16x1xi32>
        %gather3A_511 = vector.shape_cast %broadcast_in_dim3A_510 : vector<16x1xi32> to vector<16xi32>
        %gather3A_512 = tpu.dynamic_gather %max3A_506[%gather3A_511] in [0] : vector<16xi32>, vector<16xi32> -> vector<16xi32>
        %and3A_513 = arith.constant 8 : i32
        %and3A_514 = vector.broadcast %and3A_513 : i32 to vector<16xi32>
        %and3A_515 = arith.andi %iota3A, %and3A_514 : vector<16xi32>
        %eq3A_516 = arith.constant 0 : i32
        %eq3A_517 = vector.broadcast %eq3A_516 : i32 to vector<16xi32>
        %eq3A_518 = arith.cmpi eq, %and3A_515, %eq3A_517 : vector<16xi32>
        %min3A_519 = arith.minsi %max3A_506, %gather3A_512 : vector<16xi32>
        %max3A_520 = arith.maxsi %max3A_506, %gather3A_512 : vector<16xi32>
        %select_n3A_521 = arith.select %eq3A_518, %min3A_519, %max3A_520 : vector<16xi1>, vector<16xi32>
        %xor3A_522 = arith.constant 4 : i32
        %xor3A_523 = vector.broadcast %xor3A_522 : i32 to vector<16xi32>
        %xor3A_524 = arith.xori %iota3A, %xor3A_523 : vector<16xi32>
        %broadcast_in_dim3A_525 = vector.shape_cast %xor3A_524 : vector<16xi32> to vector<16x1xi32>
        %gather3A_526 = vector.shape_cast %broadcast_in_dim3A_525 : vector<16x1xi32> to vector<16xi32>
        %gather3A_527 = tpu.dynamic_gather %select_n3A_521[%gather3A_526] in [0] : vector<16xi32>, vector<16xi32> -> vector<16xi32>
        %and3A_528 = arith.constant 4 : i32
        %and3A_529 = vector.broadcast %and3A_528 : i32 to vector<16xi32>
        %and3A_530 = arith.andi %iota3A, %and3A_529 : vector<16xi32>
        %eq3A_531 = arith.constant 0 : i32
        %eq3A_532 = vector.broadcast %eq3A_531 : i32 to vector<16xi32>
        %eq3A_533 = arith.cmpi eq, %and3A_530, %eq3A_532 : vector<16xi32>
        %min3A_534 = arith.minsi %select_n3A_521, %gather3A_527 : vector<16xi32>
        %max3A_535 = arith.maxsi %select_n3A_521, %gather3A_527 : vector<16xi32>
        %select_n3A_536 = arith.select %eq3A_533, %min3A_534, %max3A_535 : vector<16xi1>, vector<16xi32>
        %xor3A_537 = arith.constant 2 : i32
        %xor3A_538 = vector.broadcast %xor3A_537 : i32 to vector<16xi32>
        %xor3A_539 = arith.xori %iota3A, %xor3A_538 : vector<16xi32>
        %broadcast_in_dim3A_540 = vector.shape_cast %xor3A_539 : vector<16xi32> to vector<16x1xi32>
        %gather3A_541 = vector.shape_cast %broadcast_in_dim3A_540 : vector<16x1xi32> to vector<16xi32>
        %gather3A_542 = tpu.dynamic_gather %select_n3A_536[%gather3A_541] in [0] : vector<16xi32>, vector<16xi32> -> vector<16xi32>
        %and3A_543 = arith.constant 2 : i32
        %and3A_544 = vector.broadcast %and3A_543 : i32 to vector<16xi32>
        %and3A_545 = arith.andi %iota3A, %and3A_544 : vector<16xi32>
        %eq3A_546 = arith.constant 0 : i32
        %eq3A_547 = vector.broadcast %eq3A_546 : i32 to vector<16xi32>
        %eq3A_548 = arith.cmpi eq, %and3A_545, %eq3A_547 : vector<16xi32>
        %min3A_549 = arith.minsi %select_n3A_536, %gather3A_542 : vector<16xi32>
        %max3A_550 = arith.maxsi %select_n3A_536, %gather3A_542 : vector<16xi32>
        %select_n3A_551 = arith.select %eq3A_548, %min3A_549, %max3A_550 : vector<16xi1>, vector<16xi32>
        %xor3A_552 = arith.constant 1 : i32
        %xor3A_553 = vector.broadcast %xor3A_552 : i32 to vector<16xi32>
        %xor3A_554 = arith.xori %iota3A, %xor3A_553 : vector<16xi32>
        %broadcast_in_dim3A_555 = vector.shape_cast %xor3A_554 : vector<16xi32> to vector<16x1xi32>
        %gather3A_556 = vector.shape_cast %broadcast_in_dim3A_555 : vector<16x1xi32> to vector<16xi32>
        %gather3A_557 = tpu.dynamic_gather %select_n3A_551[%gather3A_556] in [0] : vector<16xi32>, vector<16xi32> -> vector<16xi32>
        %and3A_558 = arith.constant 1 : i32
        %and3A_559 = vector.broadcast %and3A_558 : i32 to vector<16xi32>
        %and3A_560 = arith.andi %iota3A, %and3A_559 : vector<16xi32>
        %eq3A_561 = arith.constant 0 : i32
        %eq3A_562 = vector.broadcast %eq3A_561 : i32 to vector<16xi32>
        %eq3A_563 = arith.cmpi eq, %and3A_560, %eq3A_562 : vector<16xi32>
        %min3A_564 = arith.minsi %select_n3A_551, %gather3A_557 : vector<16xi32>
        %max3A_565 = arith.maxsi %select_n3A_551, %gather3A_557 : vector<16xi32>
        %select_n3A_566 = arith.select %eq3A_563, %min3A_564, %max3A_565 : vector<16xi1>, vector<16xi32>
        %sub3A_567 = arith.constant 15 : i32
        %sub3A_568 = vector.broadcast %sub3A_567 : i32 to vector<16xi32>
        %sub3A_569 = arith.subi %sub3A_568, %iota3A : vector<16xi32>
        %broadcast_in_dim3A_570 = vector.shape_cast %sub3A_569 : vector<16xi32> to vector<16x1xi32>
        %gather3A_571 = vector.shape_cast %broadcast_in_dim3A_570 : vector<16x1xi32> to vector<16xi32>
        %gather3A_572 = tpu.dynamic_gather %select_n3A_505[%gather3A_571] in [0] : vector<16xi32>, vector<16xi32> -> vector<16xi32>
        %min3A_573 = arith.minsi %while3A_418, %gather3A_572 : vector<16xi32>
        %xor3A_574 = arith.constant 8 : i32
        %xor3A_575 = vector.broadcast %xor3A_574 : i32 to vector<16xi32>
        %xor3A_576 = arith.xori %iota3A, %xor3A_575 : vector<16xi32>
        %broadcast_in_dim3A_577 = vector.shape_cast %xor3A_576 : vector<16xi32> to vector<16x1xi32>
        %gather3A_578 = vector.shape_cast %broadcast_in_dim3A_577 : vector<16x1xi32> to vector<16xi32>
        %gather3A_579 = tpu.dynamic_gather %min3A_573[%gather3A_578] in [0] : vector<16xi32>, vector<16xi32> -> vector<16xi32>
        %and3A_580 = arith.constant 8 : i32
        %and3A_581 = vector.broadcast %and3A_580 : i32 to vector<16xi32>
        %and3A_582 = arith.andi %iota3A, %and3A_581 : vector<16xi32>
        %eq3A_583 = arith.constant 0 : i32
        %eq3A_584 = vector.broadcast %eq3A_583 : i32 to vector<16xi32>
        %eq3A_585 = arith.cmpi eq, %and3A_582, %eq3A_584 : vector<16xi32>
        %min3A_586 = arith.minsi %min3A_573, %gather3A_579 : vector<16xi32>
        %max3A_587 = arith.maxsi %min3A_573, %gather3A_579 : vector<16xi32>
        %select_n3A_588 = arith.select %eq3A_585, %min3A_586, %max3A_587 : vector<16xi1>, vector<16xi32>
        %xor3A_589 = arith.constant 4 : i32
        %xor3A_590 = vector.broadcast %xor3A_589 : i32 to vector<16xi32>
        %xor3A_591 = arith.xori %iota3A, %xor3A_590 : vector<16xi32>
        %broadcast_in_dim3A_592 = vector.shape_cast %xor3A_591 : vector<16xi32> to vector<16x1xi32>
        %gather3A_593 = vector.shape_cast %broadcast_in_dim3A_592 : vector<16x1xi32> to vector<16xi32>
        %gather3A_594 = tpu.dynamic_gather %select_n3A_588[%gather3A_593] in [0] : vector<16xi32>, vector<16xi32> -> vector<16xi32>
        %and3A_595 = arith.constant 4 : i32
        %and3A_596 = vector.broadcast %and3A_595 : i32 to vector<16xi32>
        %and3A_597 = arith.andi %iota3A, %and3A_596 : vector<16xi32>
        %eq3A_598 = arith.constant 0 : i32
        %eq3A_599 = vector.broadcast %eq3A_598 : i32 to vector<16xi32>
        %eq3A_600 = arith.cmpi eq, %and3A_597, %eq3A_599 : vector<16xi32>
        %min3A_601 = arith.minsi %select_n3A_588, %gather3A_594 : vector<16xi32>
        %max3A_602 = arith.maxsi %select_n3A_588, %gather3A_594 : vector<16xi32>
        %select_n3A_603 = arith.select %eq3A_600, %min3A_601, %max3A_602 : vector<16xi1>, vector<16xi32>
        %xor3A_604 = arith.constant 2 : i32
        %xor3A_605 = vector.broadcast %xor3A_604 : i32 to vector<16xi32>
        %xor3A_606 = arith.xori %iota3A, %xor3A_605 : vector<16xi32>
        %broadcast_in_dim3A_607 = vector.shape_cast %xor3A_606 : vector<16xi32> to vector<16x1xi32>
        %gather3A_608 = vector.shape_cast %broadcast_in_dim3A_607 : vector<16x1xi32> to vector<16xi32>
        %gather3A_609 = tpu.dynamic_gather %select_n3A_603[%gather3A_608] in [0] : vector<16xi32>, vector<16xi32> -> vector<16xi32>
        %and3A_610 = arith.constant 2 : i32
        %and3A_611 = vector.broadcast %and3A_610 : i32 to vector<16xi32>
        %and3A_612 = arith.andi %iota3A, %and3A_611 : vector<16xi32>
        %eq3A_613 = arith.constant 0 : i32
        %eq3A_614 = vector.broadcast %eq3A_613 : i32 to vector<16xi32>
        %eq3A_615 = arith.cmpi eq, %and3A_612, %eq3A_614 : vector<16xi32>
        %min3A_616 = arith.minsi %select_n3A_603, %gather3A_609 : vector<16xi32>
        %max3A_617 = arith.maxsi %select_n3A_603, %gather3A_609 : vector<16xi32>
        %select_n3A_618 = arith.select %eq3A_615, %min3A_616, %max3A_617 : vector<16xi1>, vector<16xi32>
        %xor3A_619 = arith.constant 1 : i32
        %xor3A_620 = vector.broadcast %xor3A_619 : i32 to vector<16xi32>
        %xor3A_621 = arith.xori %iota3A, %xor3A_620 : vector<16xi32>
        %broadcast_in_dim3A_622 = vector.shape_cast %xor3A_621 : vector<16xi32> to vector<16x1xi32>
        %gather3A_623 = vector.shape_cast %broadcast_in_dim3A_622 : vector<16x1xi32> to vector<16xi32>
        %gather3A_624 = tpu.dynamic_gather %select_n3A_618[%gather3A_623] in [0] : vector<16xi32>, vector<16xi32> -> vector<16xi32>
        %and3A_625 = arith.constant 1 : i32
        %and3A_626 = vector.broadcast %and3A_625 : i32 to vector<16xi32>
        %and3A_627 = arith.andi %iota3A, %and3A_626 : vector<16xi32>
        %eq3A_628 = arith.constant 0 : i32
        %eq3A_629 = vector.broadcast %eq3A_628 : i32 to vector<16xi32>
        %eq3A_630 = arith.cmpi eq, %and3A_627, %eq3A_629 : vector<16xi32>
        %min3A_631 = arith.minsi %select_n3A_618, %gather3A_624 : vector<16xi32>
        %max3A_632 = arith.maxsi %select_n3A_618, %gather3A_624 : vector<16xi32>
        %select_n3A_633 = arith.select %eq3A_630, %min3A_631, %max3A_632 : vector<16xi1>, vector<16xi32>
        %max3A_634 = arith.maxsi %while3A_418, %gather3A_572 : vector<16xi32>
        %xor3A_635 = arith.constant 8 : i32
        %xor3A_636 = vector.broadcast %xor3A_635 : i32 to vector<16xi32>
        %xor3A_637 = arith.xori %iota3A, %xor3A_636 : vector<16xi32>
        %broadcast_in_dim3A_638 = vector.shape_cast %xor3A_637 : vector<16xi32> to vector<16x1xi32>
        %gather3A_639 = vector.shape_cast %broadcast_in_dim3A_638 : vector<16x1xi32> to vector<16xi32>
        %gather3A_640 = tpu.dynamic_gather %max3A_634[%gather3A_639] in [0] : vector<16xi32>, vector<16xi32> -> vector<16xi32>
        %and3A_641 = arith.constant 8 : i32
        %and3A_642 = vector.broadcast %and3A_641 : i32 to vector<16xi32>
        %and3A_643 = arith.andi %iota3A, %and3A_642 : vector<16xi32>
        %eq3A_644 = arith.constant 0 : i32
        %eq3A_645 = vector.broadcast %eq3A_644 : i32 to vector<16xi32>
        %eq3A_646 = arith.cmpi eq, %and3A_643, %eq3A_645 : vector<16xi32>
        %min3A_647 = arith.minsi %max3A_634, %gather3A_640 : vector<16xi32>
        %max3A_648 = arith.maxsi %max3A_634, %gather3A_640 : vector<16xi32>
        %select_n3A_649 = arith.select %eq3A_646, %min3A_647, %max3A_648 : vector<16xi1>, vector<16xi32>
        %xor3A_650 = arith.constant 4 : i32
        %xor3A_651 = vector.broadcast %xor3A_650 : i32 to vector<16xi32>
        %xor3A_652 = arith.xori %iota3A, %xor3A_651 : vector<16xi32>
        %broadcast_in_dim3A_653 = vector.shape_cast %xor3A_652 : vector<16xi32> to vector<16x1xi32>
        %gather3A_654 = vector.shape_cast %broadcast_in_dim3A_653 : vector<16x1xi32> to vector<16xi32>
        %gather3A_655 = tpu.dynamic_gather %select_n3A_649[%gather3A_654] in [0] : vector<16xi32>, vector<16xi32> -> vector<16xi32>
        %and3A_656 = arith.constant 4 : i32
        %and3A_657 = vector.broadcast %and3A_656 : i32 to vector<16xi32>
        %and3A_658 = arith.andi %iota3A, %and3A_657 : vector<16xi32>
        %eq3A_659 = arith.constant 0 : i32
        %eq3A_660 = vector.broadcast %eq3A_659 : i32 to vector<16xi32>
        %eq3A_661 = arith.cmpi eq, %and3A_658, %eq3A_660 : vector<16xi32>
        %min3A_662 = arith.minsi %select_n3A_649, %gather3A_655 : vector<16xi32>
        %max3A_663 = arith.maxsi %select_n3A_649, %gather3A_655 : vector<16xi32>
        %select_n3A_664 = arith.select %eq3A_661, %min3A_662, %max3A_663 : vector<16xi1>, vector<16xi32>
        %xor3A_665 = arith.constant 2 : i32
        %xor3A_666 = vector.broadcast %xor3A_665 : i32 to vector<16xi32>
        %xor3A_667 = arith.xori %iota3A, %xor3A_666 : vector<16xi32>
        %broadcast_in_dim3A_668 = vector.shape_cast %xor3A_667 : vector<16xi32> to vector<16x1xi32>
        %gather3A_669 = vector.shape_cast %broadcast_in_dim3A_668 : vector<16x1xi32> to vector<16xi32>
        %gather3A_670 = tpu.dynamic_gather %select_n3A_664[%gather3A_669] in [0] : vector<16xi32>, vector<16xi32> -> vector<16xi32>
        %and3A_671 = arith.constant 2 : i32
        %and3A_672 = vector.broadcast %and3A_671 : i32 to vector<16xi32>
        %and3A_673 = arith.andi %iota3A, %and3A_672 : vector<16xi32>
        %eq3A_674 = arith.constant 0 : i32
        %eq3A_675 = vector.broadcast %eq3A_674 : i32 to vector<16xi32>
        %eq3A_676 = arith.cmpi eq, %and3A_673, %eq3A_675 : vector<16xi32>
        %min3A_677 = arith.minsi %select_n3A_664, %gather3A_670 : vector<16xi32>
        %max3A_678 = arith.maxsi %select_n3A_664, %gather3A_670 : vector<16xi32>
        %select_n3A_679 = arith.select %eq3A_676, %min3A_677, %max3A_678 : vector<16xi1>, vector<16xi32>
        %xor3A_680 = arith.constant 1 : i32
        %xor3A_681 = vector.broadcast %xor3A_680 : i32 to vector<16xi32>
        %xor3A_682 = arith.xori %iota3A, %xor3A_681 : vector<16xi32>
        %broadcast_in_dim3A_683 = vector.shape_cast %xor3A_682 : vector<16xi32> to vector<16x1xi32>
        %gather3A_684 = vector.shape_cast %broadcast_in_dim3A_683 : vector<16x1xi32> to vector<16xi32>
        %gather3A_685 = tpu.dynamic_gather %select_n3A_679[%gather3A_684] in [0] : vector<16xi32>, vector<16xi32> -> vector<16xi32>
        %and3A_686 = arith.constant 1 : i32
        %and3A_687 = vector.broadcast %and3A_686 : i32 to vector<16xi32>
        %and3A_688 = arith.andi %iota3A, %and3A_687 : vector<16xi32>
        %eq3A_689 = arith.constant 0 : i32
        %eq3A_690 = vector.broadcast %eq3A_689 : i32 to vector<16xi32>
        %eq3A_691 = arith.cmpi eq, %and3A_688, %eq3A_690 : vector<16xi32>
        %min3A_692 = arith.minsi %select_n3A_679, %gather3A_685 : vector<16xi32>
        %max3A_693 = arith.maxsi %select_n3A_679, %gather3A_685 : vector<16xi32>
        %select_n3A_694 = arith.select %eq3A_691, %min3A_692, %max3A_693 : vector<16xi1>, vector<16xi32>
        scf.yield %select_n3A_633, %select_n3A_694 : vector<16xi32>, vector<16xi32>
      }
      %min3A_394 = arith.constant 0 : i32
      %min3A_395 = vector.broadcast %min3A_394 : i32 to vector<16xi32>
      %min3A_396 = arith.minsi %while3A_329, %min3A_395 : vector<16xi32>
      %broadcast_in_dim3A_397 = vector.shape_cast %min3A_396 : vector<16xi32> to vector<16x1xi32>
      %gather3A_398 = vector.shape_cast %broadcast_in_dim3A_397 : vector<16x1xi32> to vector<16xi32>
      %gather3A_399 = tpu.dynamic_gather %while3A_393#0[%gather3A_398] in [0] : vector<16xi32>, vector<16xi32> -> vector<16xi32>
      %lt3A_400 = arith.cmpi slt, %iota3A, %while3A_329 : vector<16xi32>
      %select_n3A_401 = arith.select %lt3A_400, %while3A_393#0, %gather3A_399 : vector<16xi1>, vector<16xi32>
      %add3A_402 = arith.constant 16 : i32
      %add3A_403 = vector.broadcast %add3A_402 : i32 to vector<16xi32>
      %add3A_404 = arith.addi %iota3A, %add3A_403 : vector<16xi32>
      %lt3A_405 = arith.cmpi slt, %add3A_404, %while3A_329 : vector<16xi32>
      %select_n3A_406 = arith.select %lt3A_405, %while3A_393#1, %gather3A_399 : vector<16xi1>, vector<16xi32>
      %mul3A_407 = arith.constant 32 : i32
      %mul3A_408 = arith.muli %scan3A_93, %mul3A_407 : i32
      %swap3A = arith.index_cast %mul3A_408 : i32 to index
      %swap3A_409 = tpu.vector_load %arg23[%swap3A] {strides = array<i32>} : memref<4096xi32, #tpu.memory_space<vmem>>, vector<16xi32>,
      tpu.vector_store %arg23[%swap3A], %select_n3A_401 {strides = array<i32>} : memref<4096xi32, #tpu.memory_space<vmem>>, vector<16xi32>,
      %mul3A_410 = arith.constant 32 : i32
      %mul3A_411 = arith.muli %scan3A_93, %mul3A_410 : i32
      %add3A_412 = arith.constant 16 : i32
      %add3A_413 = arith.addi %mul3A_411, %add3A_412 : i32
      %swap3A_414 = arith.index_cast %add3A_413 : i32 to index
      %swap3A_415 = tpu.vector_load %arg23[%swap3A_414] {strides = array<i32>} : memref<4096xi32, #tpu.memory_space<vmem>>, vector<16xi32>,
      tpu.vector_store %arg23[%swap3A_414], %select_n3A_406 {strides = array<i32>} : memref<4096xi32, #tpu.memory_space<vmem>>, vector<16xi32>,
      %scan3A_416 = arith.constant 0 : i32
      scf.yield %scan3A_416 : i32
    }
    %scan3A_90 = arith.constant 128 : i32
    %mul3A_91 = arith.constant 32 : i32
    %mul3A_92 = arith.muli %mul3A_2, %mul3A_91 : i32
    "tpu.region"() ({
      %run_scoped3A = tpu.sem_alloc : memref<!tpu.dma_semaphore, #tpu.memory_space<semaphore_mem>>
      %dma_start3A_93 = tpu.memref_slice %arg9[%mul3A_92] : memref<131072xi32, #tpu.memory_space<hbm>> -> memref<4096xi32, #tpu.memory_space<hbm>>
      %dma_start3A_94 = tpu.memref_slice %arg9[%mul3A_92] : memref<131072xi32, #tpu.memory_space<hbm>> -> memref<4096xi32, #tpu.memory_space<hbm>>
      tpu.enqueue_dma source(%arg23 : memref<4096xi32, #tpu.memory_space<vmem>>) target(%dma_start3A_94 : memref<4096xi32, #tpu.memory_space<hbm>>) target_semaphore(%run_scoped3A : memref<!tpu.dma_semaphore, #tpu.memory_space<semaphore_mem>>)
      %dma_wait3A_95 = tpu.memref_slice %arg9[%mul3A_92] : memref<131072xi32, #tpu.memory_space<hbm>> -> memref<4096xi32, #tpu.memory_space<hbm>>
      %dma_wait3A_96 = tpu.memref_slice %arg9[%mul3A_92] : memref<131072xi32, #tpu.memory_space<hbm>> -> memref<4096xi32, #tpu.memory_space<hbm>>
      tpu.wait_dma2 semaphore(%run_scoped3A : memref<!tpu.dma_semaphore, #tpu.memory_space<semaphore_mem>>) src(%arg23 : memref<4096xi32, #tpu.memory_space<vmem>>) dst(%dma_wait3A_96 : memref<4096xi32, #tpu.memory_space<hbm>>)
      tpu.yield
    }) : () -> ()
    return
  }
}

</mosaic_0001>

<sc_bundles>
// kernel: _ball_query.3.cloned.1.call-start
scs
__scs_entry_jumppad:
0x0: {  	(pc) =	sbr.rel $0x88, $3  }
0x1: {  	(tag) =	ssettag $0x0;
	lr =	simm.s32 $0x1  }
0x2: {  	[smem:$0x3F9A] =	sst lr;
	_ =	strace $0xD0000000  }
0x3: {  	_ = 	snop  }
0x4: {  	_ = 	snop  }
0x5: {  	_ = 	snop  }
0x6: {  	_ = 	snop  }
0x7: {  	_ = 	snop  }
__scs_overlays_trampoline_lowered:
0x8: {  	[smem:$0x3FA9] =	sst s0  }
0x9: {  	[smem:$0x3FAA] =	sst s1  }
0xa: {  	[smem:$0x3FAB] =	sst s2  }
0xb: {  	[smem:$0x3FAC] =	sst s3  }
0xc: {  	[smem:$0x3FAD] =	sst s4  }
0xd: {  	[smem:$0x3FAE] =	sst s5  }
0xe: {  	[smem:$0x3FAF] =	sst s6  }
0xf: {  	[smem:$0x3FB0] =	sst s7  }
0x10: {  	[smem:$0x3FB1] =	sst s8  }
0x11: {  	[smem:$0x3FB2] =	sst s9;
	s0 =	simm.s32 @!p0 $0x0  }
0x12: {  	s1 =	sld [smem:$0x3F98];
	s0 =	simm.s32 @p0 $0x1  }
0x13: {  	[smem:$0x3FB3] =	sst s0;
	s0 =	simm.s32 @!p1 $0x0  }
0x14: {  	s2 =	sld [smem:$0x3F97];
	s0 =	simm.s32 @p1 $0x1  }
0x15: {  	[smem:$0x3FB4] =	sst s0;
	s0 =	simm.s32 @!p2 $0x0  }
0x16: {  	s3 =	sld [smem:$0x3FDB];
	s0 =	simm.s32 @p2 $0x1  }
0x17: {  	s4 =	simm.s32 $0x1BF5;
	[smem:$0x3FB6] =	sst s0  }
0x18: {  	s0 =	sld [smem:$0x3F99];
	_ =	swait.ge [sflag:s4], $0x0  }
0x19: {  	s7 =	sld [smem:$0x3F9A]  }
0x1a: {  	s8 =	sadd.s32 $0xFFFFE003, lr  }
0x1b: {  	s9 =	sadd.s32 $0xFFFFFEF7, lr;
	s5 =	simm.s32 $0xFFFFFFFF;
	p2 =	slt.u32 s8, $0xFFFFF086  }
0x1c: {  	p1 =	slt.u32 s9, $0xF7A;
	s5 =	simm.s32 @!p2 $0x0  }
0x1d: {  	s5 =	simm.s32 @p1 $0x1;
	p0 =	seq.s32 s7, s2  }
0x1e: {  	s7 =	smul.u32 @!p0 $0xF7A, s2;
	p2 =	seq.s32 @!p0 s5, $0x0  }
0x1f: {  	s9 =	smul.u32 $0xF7A, s1;
	s8 =	simm.s32 @!p0 $0x1BF5;
	p2 =	por !p2, p0  }
0x20: {  	[sflag:s8] =	ssyncset.s32 @!p0 $0xFFFFF086;
	s6 =	sadd.s32 @!p0 s3, s7;
	s7 =	simm.s32 @!p0 $0x108  }
0x21: {  	s3 =	sadd.s32 s3, s9;
	s6 =	sadd.s32 @!p0 $0x88, s6;
	s7 =	simm.s32 @p2 $0x1082  }
0x22: {  	[simem:s7], [sflag:s8] =	dma.local @!p0 [hbm:s6], $0xF7A  }
0x23: {  	s9 =	sor.u32 $0xD0000000, s2;
	s6 =	simm.s32 $0x108;
	_ =	swait.ge @!p0 [sflag:s8], $0x0  }
0x24: {  	s3 =	sadd.s32 $0x88, s3;
	s6 =	simm.s32 @!p1 $0x1082;
	[sflag:s4] =	ssyncset.s32 $0xFFFFF086  }
0x25: {  	[simem:s6], [sflag:s4] =	dma.local [hbm:s3], $0xF7A  }
0x26: {  	[smem:$0x3F9A] =	sst s1;
	(tag) =	ssettag s2;
	_ =	strace s9  }
0x27: {  	s1 =	sld [smem:$0x3FAA]  }
0x28: {  	s2 =	sld [smem:$0x3FAB]  }
0x29: {  	s4 =	sld [smem:$0x3FAD]  }
0x2a: {  	p0 =	seq.s32 s5, $0x0;
	s5 =	sld [smem:$0x3FAE]  }
0x2b: {  	s6 =	sld [smem:$0x3FAF]  }
0x2c: {  	s7 =	sld [smem:$0x3FB0]  }
0x2d: {  	s3 =	simm.s32 $0x108;
	s8 =	sld [smem:$0x3FB1]  }
0x2e: {  	s3 =	simm.s32 @!p0 $0x1082;
	s9 =	sld [smem:$0x3FB2]  }
0x2f: {  	lr =	sadd.s32 s0, s3;
	s0 =	sld [smem:$0x3FA9]  }
0x30: {  	s3 =	sld [smem:$0x3FAC]  }
0x31: {  	[smem:$0x3FB5] =	sst s10  }
0x32: {  	s10 =	sld [smem:$0x3FB3];
	_ =	sdelay $0x3  }
0x33: {  	p0 =	seq.s32 s10, $0x1;
	s10 =	sld [smem:$0x3FB5];
	_ =	sdelay $0x3  }
0x34: {  	[smem:$0x3FB5] =	sst s10  }
0x35: {  	s10 =	sld [smem:$0x3FB4];
	_ =	sdelay $0x3  }
0x36: {  	p1 =	seq.s32 s10, $0x1;
	s10 =	sld [smem:$0x3FB5];
	_ =	sdelay $0x3  }
0x37: {  	[smem:$0x3FB5] =	sst s10  }
0x38: {  	s10 =	sld [smem:$0x3FB6]  }
0x39: {  	_ = 	snop;
	(pc) =	sbr.ind lr, $3  }
0x3a: {  	_ = 	snop  }
0x3b: {  	_ = 	snop  }
0x3c: {  	p2 =	seq.s32 s10, $0x1;
	s10 =	sld [smem:$0x3FB5]  }
0x3d: {  	_ =	shalt  }
0x3e: {  	_ =	shalt  }
0x3f: {  	_ =	shalt  }
0x40: {  	_ =	shalt  }
0x41: {  	_ =	shalt  }
0x42: {  	_ =	shalt  }
0x43: {  	_ =	shalt  }
0x44: {  	_ =	shalt  }
0x45: {  	_ =	shalt  }
0x46: {  	_ =	shalt  }
0x47: {  	_ =	shalt  }
0x48: {  	_ =	shalt  }
0x49: {  	_ =	shalt  }
0x4a: {  	_ =	shalt  }
0x4b: {  	_ =	shalt  }
0x4c: {  	_ =	shalt  }
0x4d: {  	_ =	shalt  }
0x4e: {  	_ =	shalt  }
0x4f: {  	_ =	shalt  }
0x50: {  	_ =	shalt  }
0x51: {  	_ =	shalt  }
0x52: {  	_ =	shalt  }
0x53: {  	_ =	shalt  }
0x54: {  	_ =	shalt  }
0x55: {  	_ =	shalt  }
0x56: {  	_ =	shalt  }
0x57: {  	_ =	shalt  }
0x58: {  	_ =	shalt  }
0x59: {  	_ =	shalt  }
0x5a: {  	_ =	shalt  }
0x5b: {  	_ =	shalt  }
0x5c: {  	_ =	shalt  }
0x5d: {  	_ =	shalt  }
0x5e: {  	_ =	shalt  }
0x5f: {  	_ =	shalt  }
0x60: {  	_ =	shalt  }
0x61: {  	_ =	shalt  }
0x62: {  	_ =	shalt  }
0x63: {  	_ =	shalt  }
0x64: {  	_ =	shalt  }
0x65: {  	_ =	shalt  }
0x66: {  	_ =	shalt  }
0x67: {  	_ =	shalt  }
0x68: {  	_ =	shalt  }
0x69: {  	_ =	shalt  }
0x6a: {  	_ =	shalt  }
0x6b: {  	_ =	shalt  }
0x6c: {  	_ =	shalt  }
0x6d: {  	_ =	shalt  }
0x6e: {  	_ =	shalt  }
0x6f: {  	_ =	shalt  }
0x70: {  	_ =	shalt  }
0x71: {  	_ =	shalt  }
0x72: {  	_ =	shalt  }
0x73: {  	_ =	shalt  }
0x74: {  	_ =	shalt  }
0x75: {  	_ =	shalt  }
0x76: {  	_ =	shalt  }
0x77: {  	_ =	shalt  }
0x78: {  	_ =	shalt  }
0x79: {  	_ =	shalt  }
0x7a: {  	_ =	shalt  }
0x7b: {  	_ =	shalt  }
0x7c: {  	_ =	shalt  }
0x7d: {  	_ =	shalt  }
0x7e: {  	_ =	shalt  }
0x7f: {  	_ =	shalt  }
0x80: {  	_ =	shalt  }
0x81: {  	_ =	shalt  }
0x82: {  	_ =	shalt  }
0x83: {  	_ =	shalt  }
0x84: {  	_ =	shalt  }
0x85: {  	_ =	shalt  }
0x86: {  	_ =	shalt  }
0x87: {  	_ =	shalt  }
.Lfunc_end0:
.L_simem_size_0:
called_computation_lowered:
.L_overlay_start_0:
0x88: {  	s2 =	sld [smem:$0x3FD9]  }
0x89: {  	s3 =	sld [smem:$0x3FFE];
	_ =	sdelay $0x1  }
0x8a: {  	s1 =	srdreg.scid  }
0x8b: {  	s0 =	sand.u32 $0x1, s1  }
0x8c: {  	s18 =	sshll.u32 s0, $0xA;
	s2 =	sadd.s32 s3, s2  }
0x8d: {  	s2 =	sadd.s32 s2, s18  }
0x8e: {  	[smem:$0x3FC1] =	sst s2  }
0x8f: {  	_ = 	snop  }
0x90: {  	s2 =	sld [smem:$0x3FC9]  }
0x91: {  	s19 =	sld [smem:$0x3FC8]  }
0x92: {  	s4 =	sld [smem:$0x3FC7]  }
0x93: {  	s5 =	sld [smem:$0x3FC6]  }
0x94: {  	s6 =	sld [smem:$0x3FC5]  }
0x95: {  	s7 =	sld [smem:$0x3FC4]  }
0x96: {  	s8 =	sld [smem:$0x3FC3]  }
0x97: {  	s9 =	sld [smem:$0x3FD0];
	(tm) =	ssettm $0x1  }
0x98: {  	s10 =	sld [smem:$0x3FFB];
	_ =	sdelay $0x3  }
0x99: {  	_ =	strace s10  }
0x9a: {  	s10 =	sld [smem:$0x3FFC];
	_ =	sdelay $0x3  }
0x9b: {  	_ =	strace s10  }
0x9c: {  	s10 =	sld [smem:$0x3FFD];
	_ =	sdelay $0x3  }
0x9d: {  	_ =	strace s10  }
0x9e: {  	_ =	strace $0x8FFFFFFF  }
0x9f: {  	s20 =	sld [smem:$0x3FDB];
	_ =	sdelay $0x1  }
0xa0: {  	s11 =	simm.s32 $_scs_section_size  }
0xa1: {  	s12 =	simm.s32 $_size__tile_overlayer_lowered;
	s13 =	simm.s32 $_tile_overlayer_lowered  }
0xa2: {  	s23 =	simm.s32 $0x1BFF;
	s22 =	sshll.u32 s13, $0x1;
	s10 =	sadd.s32 s11, s20  }
0xa3: {  	s14 =	simm.s32 $0x0;
	s21 =	sshll.u32 s12, $0x1;
	s12 =	sadd.s32 s22, s10  }
0xa4: {  	[timem:s14], [sflag:s23] =	dma.local [hbm:s12], s21  }
0xa5: {  	_ =	swait.ge [sflag:s23], s21  }
0xa6: {  	s11 =	ssub.s32 $0x0, s21;
	[sflag:s23] =	ssyncset.done $0x0  }
0xa7: {  	[sflag:s23] =	ssyncadd.s32 s11;
	_ =	sdelay $0x1  }
0xa8: {  	s24 =	simm.s32 $0x1B8B  }
0xa9: {  	_ =	swait.ge [sflag:s24], $0x1  }
0xaa: {  	[sflag:s24] =	ssyncset.done $0x0  }
0xab: {  	s25 =	simm.s32 $0x1B8E;
	[sflag:s24] =	ssyncadd.s32 $0xFFFFFFFF  }
0xac: {  	s26 =	simm.s32 $execute0_lowered;
	[smem:$0x3FD2] =	sst s25  }
0xad: {  	s11 =	sshll.u32 s26, $0x1;
	_ =	strace $0x80000046;
	[dreg:$0x1] =	wrdreg $0xFFFFFFFF  }
0xae: {  	s28 =	simm.s32 $_size_execute0_lowered;
	s10 =	sadd.s32 s10, s11;
	[dreg:$0x0] =	wrdreg $0x0  }
0xaf: {  	s11 =	sshll.u32 s28, $0x1;
	[dreg:$0x2] =	wrdreg s10  }
0xb0: {  	[dreg:$0x3] =	wrdreg s11  }
0xb1: {  	[dreg:$0x4] =	wrdreg $0xC0  }
0xb2: {  	_ =	task [dreg:s14], $0x5FFFF  }
0xb3: {  	[dreg:$0x1] =	wrdreg $0xFFFFFFFF  }
0xb4: {  	[dreg:$0x0] =	wrdreg $0x60  }
0xb5: {  	[dreg:$0x2] =	wrdreg s2  }
0xb6: {  	[dreg:$0x3] =	wrdreg s19  }
0xb7: {  	[dreg:$0x4] =	wrdreg s4  }
0xb8: {  	[dreg:$0x5] =	wrdreg s5  }
0xb9: {  	[dreg:$0x6] =	wrdreg s6  }
0xba: {  	[dreg:$0x7] =	wrdreg s7  }
0xbb: {  	[dreg:$0x8] =	wrdreg s8  }
0xbc: {  	[dreg:$0x9] =	wrdreg s9  }
0xbd: {  	[dreg:$0xa] =	wrdreg $0x9  }
0xbe: {  	_ =	task.clear_ibuf [dreg:s14], $0xBFFFF;
	_ =	strace $0x90000046  }
0xbf: {  	s29 =	simm.s32 $0x9;
	_ =	strace $0x80000048  }
0xc0: {  	_ =	swait.ge [sflag:s29], $0x1  }
0xc1: {  	[sflag:s29] =	ssyncadd.s32 $0xFFFFFFFF  }
0xc2: {  	_ =	strace $0x90000048  }
0xc3: {  	_ =	sfence  }
0xc4: {  	s30 =	sld [smem:$0x0];
	_ =	sdelay $0x2  }
0xc5: {  	s31 =	sshll.u32 s1, $0xD;
	s1 =	sshrl.u32 s1, $0x2  }
0xc6: {  	s3 =	sand.u32 $0x4000, s31;
	s1 =	sadd.s32 s1, s30  }
0xc7: {  	s0 =	sor.u32 s3, s0;
	s1 =	sshll.u32 s1, $0x11  }
0xc8: {  	s0 =	sor.u32 s1, s0  }
0xc9: {  	s0 =	sadd.s32 $0x8F2B, s0  }
0xca: {  	[sflag:s0] =	ssyncadd.remote.s32 $0x1  }
0xcb: {  	_ =	sfence.sel $0xFFFF  }
0xcc: {  	[dreg:$0x0] =	wrdreg $0xFFFFFFFF;
	(pc) =	sbr.abs _section_cstart, $3  }
0xcd: {  	[dreg:$0x1] =	wrdreg $0xFFFFFFFF  }
0xce: {  	_ =	task.clear_ibuf [dreg:s14], $0x2FFFF;
	_ =	strace $0x9FFFFFFF  }
0xcf: {  	(tm) =	ssettm $0x7FFFFFFF  }
tec
execute0_lowered:
.L_overlay_start_1:
0x0: {  	(tag) =	ssettag $0x1  }
0x1: {  	v0 =	vimm.s32 $0x134D3  }
0x2: {  	v1 =	vimm.s32 $0x87654320;
	v2 =	vimm.s32 $0x5555503F;
	vm0 =	vcmask $0x3F24  }
0x3: {  	v7 =	vimm.s32 $0x3;
	v8 =	vimm.s32 $0x4;
	v9 =	vimm.s32 $0x5  }
0x4: {  	v10 =	vimm.s32 $0x6;
	v11 =	vimm.s32 $0x76543210;
	v12 =	vimm.s32 $0xBA98FEDC  }
0x5: {  	v16 =	vimm.s32 $0x32107654;
	v17 =	vimm.s32 $0xDCFE98BA;
	v18 =	vimm.s32 $0x54761032  }
0x6: {  	vm1 =	vcmask $0x2F20;
	vm2 =	vcmask $0xF00;
	vm3 =	vcmask $0x700  }
0x7: {  	vm4 =	vcmask $0x300;
	vm5 =	vcmask $0x2B28;
	v0 =	vunpack.c.l.s2.s4 v0  }
0x8: {  	v3 =	vunpack.c.l.s4.s8 v1;
	v4 =	vunpack.c.l.s2.s4 v2;
	v1 =	vimm.s32 $0x1  }
0x9: {  	s0 =	rddreg [dreg:$0x0];
	v2 =	vimm.s32 $0xF;
	v13 =	vunpack.c.l.s4.s8 v11;
	v11 =	vimm.s32 $0xFEDCBA98  }
0xa: {  	s2 =	rddreg [dreg:$0x1];
	v15 =	vunpack.c.l.s4.s8 v12;
	v12 =	vimm.s32 $0x8;
	v16 =	vunpack.c.l.s4.s8 v16  }
0xb: {  	s5 =	rddreg [dreg:$0x2];
	v17 =	vunpack.c.l.s4.s8 v17;
	v18 =	vunpack.c.l.s4.s8 v18;
	vm1 =	vmor vm2, vm1  }
0xc: {  	s6 =	rddreg [dreg:$0x3];
	vm2 =	vcmask $0x1710;
	v14 =	vunpack.c.l.s4.s8 v11;
	v11 =	vimm.s32 $0x7  }
0xd: {  	s7 =	rddreg [dreg:$0x4];
	vm2 =	vmor vm3, vm2;
	vm3 =	vcmask $0x2720;
	v5 =	vunpack.c.l.s4.s8 v0  }
0xe: {  	s8 =	rddreg [dreg:$0x5];
	v0 =	vimm.s32 $0x0;
	v6 =	vunpack.c.0.s8.s32 v3;
	v4 =	vunpack.c.l.s4.s8 v4  }
0xf: {  	s9 =	rddreg [dreg:$0x6];
	v3 =	vlaneseq.u32;
	v13 =	vunpack.c.0.s8.s32 v13;
	v15 =	vunpack.c.0.s8.s32 v15  }
0x10: {  	s10 =	rddreg [dreg:$0x7];
	s1 =	simm.s32 $0x0;
	s3 =	srdreg.scid;
	v16 =	vunpack.c.0.s8.s32 v16;
	vm2 =	vmor vm2, vm3;
	vm3 =	vcmask $0x3730  }
0x11: {  	s13 =	stileid.u32;
	s14 =	simm.s32 $0x3000;
	s15 =	simm.s32 $0x3080;
	v14 =	vunpack.c.0.s8.s32 v14;
	vm2 =	vmor vm2, vm3;
	vm3 =	vcmask $0xB08  }
0x12: {  	s16 =	simm.s32 $0x3100;
	s17 =	simm.s32 $0x3180;
	s18 =	simm.s32 $0x1;
	v5 =	vunpack.c.0.s8.s32 v5;
	v6 =	vand.u32 $0xF, v6;
	v15 =	vcombine.low v16, v15  }
0x13: {  	s19 =	simm.s32 $0x4180;
	s20 =	simm.s32 $0x4D80;
	s21 =	simm.s32 $0x5180;
	v16 =	vunpack.c.0.s8.s32 v18;
	vm3 =	vmor vm4, vm3;
	v14 =	vand.u32 $0xF, v14  }
0x14: {  	s22 =	simm.s32 $0x4580;
	s23 =	simm.s32 $0x4980;
	s24 =	simm.s32 $0x6180;
	vm4 =	vcmask $0x1310;
	v13 =	vcombine.low v14, v13;
	v14 =	vunpack.c.0.s8.s32 v17  }
0x15: {  	s25 =	simm.s32 $0x7200;
	s26 =	simm.s32 $0x2;
	s28 =	simm.s32 $0x0;
	v4 =	vunpack.c.0.s8.s32 v4;
	vm3 =	vmor vm3, vm4;
	vm4 =	vcmask $0x1B18  }
0x16: {  	[smem:$0x7FF] =	sst s1;
	s3 =	sand.u32 $0x1, s3;
	s12 =	sshll.u32 s13, $0x1;
	v17 =	vimm.s32 $0x67452301;
	v16 =	vcombine.low v16, v14;
	v14 =	vimm.s32 $0xEFCDAB89  }
0x17: {  	s13 =	sshll.u32 s13, $0x7;
	_ =	strace $0x80000047;
	s4 =	ssub.s32 $0x2, s3;
	v5 =	vsel vm0, v6, v5;
	v17 =	vunpack.c.l.s4.s8 v17;
	v14 =	vunpack.c.l.s4.s8 v14  }
0x18: {  	s12 =	sor.u32 s3, s12;
	s13 =	sand.u32 $0x600, s13;
	s11 =	sshrl.u32 s4, $0x1;
	vm0 =	vmmov $0x1ff;
	v6 =	vimm.s32 $0x2;
	vm3 =	vmor vm3, vm4  }
.Ltmp0:
0x19: {  	s3 =	sadd.s32 s0, s13;
	s30 =	sshll.u32 s12, $0x4;
	vm4 =	vcmask $0x2320;
	v17 =	vunpack.c.0.s8.s32 v17;
	v18 =	vunpack.c.0.s8.s32 v14;
	(pc) =	sbr.rel .LBB2_1-.Ltmp0, $4  }
0x1a: {  	s5 =	sadd.s32 s5, s13;
	s9 =	sadd.s32 s9, s13;
	s31 =	sshll.u32 s12, $0x9;
	v15 =	vand.u32 $0xF, v15;
	vm4 =	vmor vm3, vm4;
	vm3 =	vmmov $0xff  }
0x1b: {  	s12 =	simm.s32 $0x1000;
	s11 =	ssub.s32 s4, s11;
	s4 =	sadd.s32 s2, s13;
	vm4 =	vmor vm4, vm5;
	vm5 =	vcmask $0x3330;
	v17 =	vcombine.low v17, v18  }
0x1c: {  	s6 =	sadd.s32 s6, s30;
	s7 =	sadd.s32 s7, s30;
	s8 =	sadd.s32 s8, s30;
	vm4 =	vmor vm4, vm5;
	vm5 =	vcmask $0x3B38;
	v16 =	vand.u32 $0xF, v16  }
0x1d: {  	s10 =	sadd.s32 s10, s31;
	s13 =	simm.s32 $0x2000;
	s11 =	smax.u32 s11, $0x1;
	vm4 =	vmor vm4, vm5;
	v14 =	vor.u32 $0x10, v3;
	v17 =	vand.u32 $0xF, v17  }
.LBB2_27:
0x1e: {  	s28 =	sadd.s32 $0x1, s28  }
0x1f: {  	p0 =	sne.s32 s28, s11  }
.Ltmp1:
0x20: {  	_ = 	snop;
	(pc) =	sbr.rel @!p0 .LBB2_28-.Ltmp1, $4  }
0x21: {  	[hbm4b:s10+s1] =	stream.linear.scatter [tilespmem:s25], [sflag:$0x2], $0x1000, $0x38;
	[tilespmem:$0x8200] =	vst v63  }
0x22: {  	_ =	swait.ge [sflag:s26], $0x1000  }
0x23: {  	[sflag:s26] =	ssyncset.done $0x0  }
0x24: {  	[sflag:s26] =	ssyncadd.s32 $0xFFFFF000  }
.LBB2_1:
0x25: {  	[tilespmem:s1], [sflag:$0x1] =	stream.linear.gather [hbm4b:s3+s1], $0x1000, $0x38;
	[tilespmem:$0x8200] =	vst v63  }
0x26: {  	_ = 	snop  }
0x27: {  	[tilespmem:s12], [sflag:$0x1] =	stream.linear.gather [hbm4b:s4+s1], $0x1000, $0x38;
	[tilespmem:$0x8200] =	vst v63  }
0x28: {  	_ = 	snop  }
0x29: {  	[tilespmem:s13], [sflag:$0x1] =	stream.linear.gather [hbm4b:s5+s1], $0x1000, $0x38;
	[tilespmem:$0x8200] =	vst v63  }
0x2a: {  	_ = 	snop  }
0x2b: {  	[tilespmem:s14], [sflag:$0x1] =	stream.linear.gather [hbm4b:s6+s1], $0x80, $0x38;
	[tilespmem:$0x8200] =	vst v63  }
0x2c: {  	_ = 	snop  }
0x2d: {  	[tilespmem:s15], [sflag:$0x1] =	stream.linear.gather [hbm4b:s7+s1], $0x80, $0x38;
	[tilespmem:$0x8200] =	vst v63  }
0x2e: {  	_ = 	snop  }
0x2f: {  	[tilespmem:s16], [sflag:$0x1] =	stream.linear.gather [hbm4b:s8+s1], $0x80, $0x38;
	[tilespmem:$0x8200] =	vst v63  }
0x30: {  	_ = 	snop  }
0x31: {  	[tilespmem:s17], [sflag:$0x1] =	stream.linear.gather [hbm4b:s9+s1], $0x1000, $0x38;
	[tilespmem:$0x8200] =	vst v63  }
0x32: {  	_ =	swait.ge [sflag:s18], $0x1000  }
0x33: {  	[sflag:s18] =	ssyncset.done $0x0  }
0x34: {  	[sflag:s18] =	ssyncadd.s32 $0xFFFFF000  }
0x35: {  	_ =	swait.ge [sflag:s18], $0x1000  }
0x36: {  	[sflag:s18] =	ssyncset.done $0x0  }
0x37: {  	[sflag:s18] =	ssyncadd.s32 $0xFFFFF000  }
0x38: {  	_ =	swait.ge [sflag:s18], $0x1000  }
0x39: {  	[sflag:s18] =	ssyncset.done $0x0  }
0x3a: {  	[sflag:s18] =	ssyncadd.s32 $0xFFFFF000  }
0x3b: {  	_ =	swait.ge [sflag:s18], $0x80  }
0x3c: {  	[sflag:s18] =	ssyncset.done $0x0  }
0x3d: {  	[sflag:s18] =	ssyncadd.s32 $0xFFFFFF80  }
0x3e: {  	_ =	swait.ge [sflag:s18], $0x80  }
0x3f: {  	[sflag:s18] =	ssyncset.done $0x0  }
0x40: {  	[sflag:s18] =	ssyncadd.s32 $0xFFFFFF80  }
0x41: {  	_ =	swait.ge [sflag:s18], $0x80  }
0x42: {  	[sflag:s18] =	ssyncset.done $0x0  }
0x43: {  	[sflag:s18] =	ssyncadd.s32 $0xFFFFFF80  }
0x44: {  	_ =	swait.ge [sflag:s18], $0x1000  }
0x45: {  	[sflag:s18] =	ssyncset.done $0x0  }
0x46: {  	s0 =	simm.s32 $0x40;
	s2 =	simm.s32 $0x0;
	[sflag:s18] =	ssyncadd.s32 $0xFFFFF000  }
.LBB2_2:
0x47: {  	p0 =	sne.s32 s0, $0xF80;
	[tilespmem:s2+$0x4180] =	vst v0;
	s2 =	smov.u32 s0;
	s0 =	sadd.s32 $0x40, s0  }
.Ltmp2:
0x48: {  	(pc) =	sbr.rel @p0 .LBB2_2-.Ltmp2, $2  }
0x49: {  	_ =	sdelay $0x2  }
0x4a: {  	s2 =	sshra.s32 s2, $0x2  }
0x4b: {  	[tilespmem:s2+$0x4180] =	vst v0;
	s0 =	simm.s32 $0x0  }
.LBB2_4:
0x4c: {  	s2 =	sshra.s32 s0, $0x2  }
0x4d: {  	v18 =	vld [tilespmem:s2+$0x3180];
	_ =	sdelay $0x2  }
0x4e: {  	p0 =	sne.s32 s0, $0x3FC0  }
.Ltmp3:
0x4f: {  	_ = 	snop;
	(pc) =	sbr.rel @p0 .LBB2_4-.Ltmp3, $2  }
0x50: {  	_ =	sdelay $0x2  }
0x51: {  	s0 =	sadd.s32 $0x40, s0;
	[tilespmem:v18+s19+$0x0] =	vst.idx.add.s32.msk $0xffff, v1  }
0x52: {  	s2 =	simm.s32 $0x0  }
0x53: {  	v19 =	vld [tilespmem:s2+$0x4180];
	_ =	sdelay $0x4  }
0x54: {  	s0 =	simm.s32 $0x10;
	(xrf0) =	vadd.scan.msk.s32 $0xffff, v19  }
0x55: {  	v18 =	vld [tilespmem:s0+$0x4180];
	_ =	sdelay $0x2  }
0x56: {  	v20 =	vimm.s32 $0x0;
	s29 =	simm.s32 $0x80  }
.LBB2_6:
0x57: {  	p0 =	sne.s32 s29, $0xF80;
	s30 =	smov.u32 s29;
	s29 =	sadd.s32 $0x40, s29  }
.Ltmp4:
0x58: {  	s30 =	sshra.s32 s30, $0x2;
	(xrf0) =	vadd.scan.msk.s32 $0xffff, v18;
	v21, _, _ =	vpop (xrf0);
	v22 =	vmov v18;
	(pc) =	sbr.rel @p0 .LBB2_6-.Ltmp4, $4  }
0x59: {  	v18 =	vld [tilespmem:s30+$0x4180];
	v20 =	vadd.s32 v20, v21  }
0x5a: {  	[tilespmem:s2+$0x4980] =	vst v20;
	v21 =	vsub.s32 v20, v19;
	v20 =	vperm.xlane v20, v2;
	v19 =	vmov v22  }
0x5b: {  	[tilespmem:s2+$0x4580] =	vst v21  }
0x5c: {  	[tilespmem:s2+$0x4D80] =	vst v21;
	s2 =	smov.u32 s0;
	s0 =	smov.u32 s30  }
0x5d: {  	_ = 	snop  }
0x5e: {  	(xrf0) =	vadd.scan.msk.s32 $0xffff, v18;
	_ =	sdelay $0x2  }
0x5f: {  	v21, _, _ =	vpop (xrf0)  }
0x60: {  	v20 =	vadd.s32 v20, v21  }
0x61: {  	[tilespmem:s2+$0x4980] =	vst v20;
	v19 =	vsub.s32 v20, v19;
	v20 =	vperm.xlane v20, v2  }
0x62: {  	[tilespmem:s2+$0x4580] =	vst v19;
	v63, _, _ =	vpop (xrf0)  }
0x63: {  	[tilespmem:s2+$0x4D80] =	vst v19;
	v19 =	vadd.s32 v20, v63  }
0x64: {  	[tilespmem:s0+$0x4980] =	vst v19;
	v18 =	vsub.s32 v19, v18  }
0x65: {  	[tilespmem:s0+$0x4580] =	vst v18  }
0x66: {  	s2 =	simm.s32 $0x3180;
	[tilespmem:s0+$0x4D80] =	vst v18  }
0x67: {  	v18 =	vld [tilespmem:s2+$0x0]  }
0x68: {  	s29 =	simm.s32 $0x0;
	s30 =	simm.s32 $0x10;
	s0 =	simm.s32 $0x0  }
.LBB2_8:
0x69: {  	p0 =	sne.s32 s30, $0xFF0;
	_ =	sdelay $0x2  }
0x6a: {  	(xrf1) =	vunique.msk.u32 $0xffff, v18;
	_ =	sdelay $0x8  }
0x6b: {  	v19 =	vld.idx.msk [tilespmem:v18+s20+$0x0], $0xffff;
	_ =	sdelay $0x4  }
0x6c: {  	_, v20, _ =	vpop (xrf1)  }
0x6d: {  	v19 =	vadd.s32 v19, v20  }
0x6e: {  	v20 =	vadd.s32 $0xFFFFFFFF, v19;
	_ =	sdelay $0x3  }
.Ltmp5:
0x6f: {  	v21 =	vor.u32 s0, v3;
	s0 =	smov.u32 s30;
	(pc) =	sbr.rel @p0 .LBB2_8-.Ltmp5, $4  }
0x70: {  	[tilespmem:v20+s21+$0x0] =	vst.idx.msk $0xffff, v21  }
0x71: {  	s2 =	sadd.s32 $0x10, s2;
	[tilespmem:v18+s20+$0x0] =	vst.idx.msk $0xffff, v19  }
0x72: {  	v18 =	vld [tilespmem:s2+$0x0]  }
0x73: {  	s30 =	sadd.s32 $0x10, s30  }
0x74: {  	_ =	sdelay $0x2  }
0x75: {  	(xrf1) =	vunique.msk.u32 $0xffff, v18;
	_ =	sdelay $0x9  }
0x76: {  	v19 =	vld.idx.msk [tilespmem:v18+s20+$0x0], $0xffff;
	_ =	sdelay $0x3  }
0x77: {  	_, v20, _ =	vpop (xrf1)  }
0x78: {  	v19 =	vadd.s32 v19, v20  }
0x79: {  	v20 =	vadd.s32 $0xFFFFFFFF, v19;
	_ =	sdelay $0x1  }
.Ltmp6:
0x7a: {  	_ = 	snop;
	(pc) =	sbr.rel .LBB2_10-.Ltmp6, $4  }
0x7b: {  	_ = 	snop  }
0x7c: {  	v21 =	vor.u32 s0, v3  }
0x7d: {  	[tilespmem:v20+s21+$0x0] =	vst.idx.msk $0xffff, v21  }
0x7e: {  	[tilespmem:v18+s20+$0x0] =	vst.idx.msk $0xffff, v19  }
.LBB2_21:
0x7f: {  	s31 =	simm.s32 $0x10;
	v22 =	vmov v19  }
.LBB2_25:
0x80: {  	v21 =	vperm.xlane @p0 v24, v21  }
0x81: {  	s0 =	sadd.s32 @p0 $0x10, s31  }
0x82: {  	s30 =	smov.u32 @p0 s0;
	vm6 =	vlt.s32 @p0 v22, v21  }
0x83: {  	v61 =	vor.u32 s30, v3;
	v24 =	vsel @p0 vm6, v21, v22  }
0x84: {  	vm7 =	vlt.s32 v61, v18;
	v25 =	vperm.xlane @p0 v24, v13  }
0x85: {  	v23 =	vnsel vm7, $0x1001, v23  }
0x86: {  	v26 =	vxor.u32 $0x80000000, v23;
	vm7 =	vlt.s32 @p0 v24, v25  }
0x87: {  	(xrf1) =	vsort.ascd.msk.u32 $0xffff, v26, v23;
	v23 =	vsel @p0 vm7, v24, v25;
	v24 =	vsel @p0 vm7, v25, v24  }
0x88: {  	v23 =	vsel @p0 vm3, v23, v24  }
0x89: {  	v24 =	vperm.xlane @p0 v23, v15;
	_ =	sdelay $0x1  }
0x8a: {  	vm7 =	vlt.s32 @p0 v23, v24  }
0x8b: {  	v25 =	vsel @p0 vm7, v23, v24;
	v23 =	vsel @p0 vm7, v24, v23  }
0x8c: {  	v23 =	vsel @p0 vm1, v25, v23  }
0x8d: {  	v24 =	vperm.xlane @p0 v23, v16;
	_ =	sdelay $0x1  }
0x8e: {  	vm7 =	vlt.s32 @p0 v23, v24  }
0x8f: {  	v25 =	vsel @p0 vm7, v23, v24;
	v23 =	vsel @p0 vm7, v24, v23  }
0x90: {  	v23 =	vsel @p0 vm2, v25, v23  }
0x91: {  	v62 =	vmul.u32 $0xFFFFFFFF, v3;
	v24 =	vperm.xlane @p0 v23, v17;
	_ =	sdelay $0x1  }
0x92: {  	v25 =	vadd.s32 $0xF, v62;
	v26, _, _ =	vpop (xrf1);
	vm7 =	vlt.s32 @p0 v23, v24  }
0x93: {  	v26 =	vxor.u32 $0x80000000, v26;
	v27 =	vsel @p0 vm7, v23, v24;
	v23 =	vsel @p0 vm7, v24, v23  }
0x94: {  	v63 =	vperm.xlane v26, v25;
	v23 =	vsel @p0 vm4, v27, v23  }
0x95: {  	v20 =	vpsel p0, v23, v20  }
0x96: {  	vm7 =	vlt.s32 v20, v63  }
0x97: {  	v20 =	vsel vm7, v20, v63  }
0x98: {  	v21 =	vsel @p0 vm6, v22, v21;
	v22 =	vperm.xlane v20, v13  }
0x99: {  	v23 =	vperm.xlane @p0 v21, v13  }
0x9a: {  	vm6 =	vlt.s32 v20, v22  }
0x9b: {  	vm7 =	vlt.s32 @p0 v21, v23;
	v24 =	vsel vm6, v20, v22;
	v20 =	vsel vm6, v22, v20  }
0x9c: {  	v22 =	vsel @p0 vm7, v21, v23;
	v21 =	vsel @p0 vm7, v23, v21;
	v20 =	vsel vm3, v24, v20  }
0x9d: {  	v21 =	vsel @p0 vm3, v22, v21;
	v22 =	vperm.xlane v20, v15  }
0x9e: {  	v23 =	vperm.xlane @p0 v21, v15  }
0x9f: {  	vm6 =	vlt.s32 v20, v22  }
0xa0: {  	vm7 =	vlt.s32 @p0 v21, v23;
	v24 =	vsel vm6, v20, v22;
	v20 =	vsel vm6, v22, v20  }
0xa1: {  	v22 =	vsel @p0 vm7, v21, v23;
	v21 =	vsel @p0 vm7, v23, v21;
	v20 =	vsel vm1, v24, v20  }
0xa2: {  	v21 =	vsel @p0 vm1, v22, v21;
	v22 =	vperm.xlane v20, v16  }
0xa3: {  	v23 =	vperm.xlane @p0 v21, v16  }
0xa4: {  	vm6 =	vlt.s32 v20, v22  }
0xa5: {  	vm7 =	vlt.s32 @p0 v21, v23;
	v24 =	vsel vm6, v20, v22;
	v20 =	vsel vm6, v22, v20  }
0xa6: {  	v22 =	vsel @p0 vm7, v21, v23;
	v21 =	vsel @p0 vm7, v23, v21;
	v20 =	vsel vm2, v24, v20  }
0xa7: {  	v21 =	vsel @p0 vm2, v22, v21;
	v22 =	vperm.xlane v20, v17  }
0xa8: {  	v23 =	vperm.xlane @p0 v21, v17  }
0xa9: {  	vm6 =	vlt.s32 v20, v22  }
0xaa: {  	vm7 =	vlt.s32 @p0 v21, v23;
	v24 =	vsel vm6, v20, v22;
	v20 =	vsel vm6, v22, v20  }
0xab: {  	v22 =	vsel @p0 vm7, v21, v23;
	v21 =	vsel @p0 vm7, v23, v21;
	v20 =	vsel vm4, v24, v20  }
0xac: {  	v21 =	vsel @p0 vm4, v22, v21;
	v20 =	vperm.xlane v20, v25  }
0xad: {  	v19 =	vpsel p0, v21, v19  }
0xae: {  	vm6 =	vlt.s32 v19, v20  }
0xaf: {  	v21 =	vsel vm6, v20, v19  }
0xb0: {  	v19 =	vsel vm6, v19, v20;
	v20 =	vperm.xlane v21, v13  }
0xb1: {  	v22 =	vperm.xlane v19, v13  }
0xb2: {  	vm6 =	vlt.s32 v21, v20  }
0xb3: {  	vm7 =	vlt.s32 v19, v22;
	v23 =	vsel vm6, v21, v20;
	v20 =	vsel vm6, v20, v21  }
0xb4: {  	v21 =	vsel vm7, v19, v22;
	v19 =	vsel vm7, v22, v19;
	v20 =	vsel vm3, v23, v20  }
0xb5: {  	v19 =	vsel vm3, v21, v19;
	v21 =	vperm.xlane v20, v15  }
0xb6: {  	v22 =	vperm.xlane v19, v15  }
0xb7: {  	vm6 =	vlt.s32 v20, v21  }
0xb8: {  	vm7 =	vlt.s32 v19, v22;
	v23 =	vsel vm6, v20, v21;
	v20 =	vsel vm6, v21, v20  }
0xb9: {  	v21 =	vsel vm7, v19, v22;
	v19 =	vsel vm7, v22, v19;
	v20 =	vsel vm1, v23, v20  }
0xba: {  	v19 =	vsel vm1, v21, v19;
	v21 =	vperm.xlane v20, v16  }
0xbb: {  	v22 =	vperm.xlane v19, v16  }
0xbc: {  	vm6 =	vlt.s32 v20, v21  }
0xbd: {  	vm7 =	vlt.s32 v19, v22;
	v23 =	vsel vm6, v20, v21;
	v20 =	vsel vm6, v21, v20  }
0xbe: {  	v21 =	vsel vm7, v19, v22;
	v19 =	vsel vm7, v22, v19;
	v20 =	vsel vm2, v23, v20  }
0xbf: {  	v19 =	vsel vm2, v21, v19;
	v21 =	vperm.xlane v20, v17  }
0xc0: {  	v22 =	vperm.xlane v19, v17  }
0xc1: {  	vm6 =	vlt.s32 v20, v21  }
0xc2: {  	vm7 =	vlt.s32 v19, v22;
	v23 =	vsel vm6, v20, v21  }
0xc3: {  	v20 =	vsel vm6, v21, v20;
	v21 =	vsel vm7, v19, v22;
	v19 =	vsel vm7, v22, v19  }
0xc4: {  	v20 =	vsel vm4, v23, v20;
	v19 =	vsel vm4, v21, v19  }
.LBB2_26:
0xc5: {  	v21 =	vshra.s32 v18, $0x1F;
	s0 =	sshll.u32 s29, $0x5;
	s29 =	sadd.s32 $0x1, s29  }
0xc6: {  	v21 =	vand.u32 v21, v18;
	p0 =	sne.s32 s29, $0x80  }
.Ltmp7:
0xc7: {  	v21 =	vperm.xlane v19, v21;
	(pc) =	sbr.rel @!p0 .LBB2_27-.Ltmp7, $4  }
0xc8: {  	_ = 	snop  }
0xc9: {  	s0 =	sand.u32 $0x3FFFFFE0, s0;
	v19 =	vsel vm5, v19, v21;
	vm5 =	vgt.s32 v18, v14  }
0xca: {  	v18 =	vsel vm5, v20, v21;
	[tilespmem:s0+$0x7200] =	vst v19  }
0xcb: {  	[tilespmem:s0+$0x7210] =	vst v18  }
.LBB2_10:
0xcc: {  	v18 =	vmov s29;
	_ =	sdelay $0x4  }
0xcd: {  	v20 =	vld.idx.msk [tilespmem:v18+s14+$0x0], $0xffff  }
0xce: {  	v21 =	vld.idx.msk [tilespmem:v18+s15+$0x0], $0xffff;
	_ =	sdelay $0x4  }
0xcf: {  	v19 =	vld.idx.msk [tilespmem:v18+s16+$0x0], $0xffff;
	v22 =	vmul.f32 $1.000000000e+01, v20;
	v23 =	vmul.f32 $1.000000000e+01, v21;
	_ =	sdelay $0x1  }
0xd0: {  	v18 =	vtrunc.f32 v22;
	v22 =	vtrunc.f32 v23  }
0xd1: {  	v18 =	vcvt.f32.s32 v18;
	v22 =	vcvt.f32.s32 v22;
	_ =	sdelay $0x1  }
0xd2: {  	v24 =	vmul.f32 $1.000000000e+01, v19;
	v18 =	vadd.s32 v4, v18;
	v22 =	vadd.s32 v5, v22  }
0xd3: {  	v23 =	vcvt.s32.f32 v18;
	v25 =	vcvt.s32.f32 v22  }
0xd4: {  	v24 =	vtrunc.f32 v24  }
0xd5: {  	v23 =	vmul.f32 $1.000000010e-01, v23;
	v25 =	vmul.f32 $1.000000010e-01, v25  }
0xd6: {  	v24 =	vcvt.f32.s32 v24  }
0xd7: {  	v26 =	vsub.f32 v20, v23;
	v27 =	vsub.f32 v21, v25  }
0xd8: {  	v28 =	vcvt.s32.f32 v24;
	v23 =	vsub.f32 v23, v20;
	v25 =	vsub.f32 v25, v21  }
0xd9: {  	v26 =	vadd.f32 $-1.000000010e-01, v26;
	v27 =	vadd.f32 $-1.000000010e-01, v27  }
0xda: {  	v28 =	vmul.f32 $1.000000010e-01, v28  }
0xdb: {  	v23 =	vmax.f32 v23, v26;
	v25 =	vmax.f32 v25, v27  }
0xdc: {  	v26 =	vadd.f32 $1.000000010e-01, v28;
	v23 =	vmax.f32 v23, $0.0e+00;
	v25 =	vmax.f32 v25, $0.0e+00  }
0xdd: {  	v27 =	vsub.f32 v19, v28;
	v23 =	vmul.f32 v23, v23;
	v25 =	vmul.f32 v25, v25  }
0xde: {  	v26 =	vsub.f32 v26, v19  }
0xdf: {  	vm5 =	vlt.u32 v18, $0xA;
	v23 =	vadd.f32 v25, v23;
	v25 =	vmul.f32 v27, v27  }
0xe0: {  	vm6 =	vlt.u32 v22, $0xA;
	v18 =	vmul.u32 $0xA, v18;
	v26 =	vmul.f32 v26, v26  }
0xe1: {  	vm7 =	vgt.s32 v24, $0x0;
	vm5 =	vmand vm5, vm6;
	v25 =	vadd.f32 v23, v25  }
0xe2: {  	v18 =	vadd.s32 v22, v18;
	vm6 =	vlt.f32 v23, $1.000100000e-02;
	v23 =	vadd.f32 v23, v26  }
0xe3: {  	v18 =	vmul.u32 $0xA, v18;
	vm5 =	vmand vm5, vm6;
	vm6 =	vlt.f32 v25, $1.000100000e-02  }
0xe4: {  	vm8 =	vlt.s32 v24, $0x9;
	vm6 =	vmand vm7, vm6;
	vm7 =	vlt.f32 v23, $1.000100000e-02  }
0xe5: {  	v18 =	vadd.s32 v24, v18;
	vm7 =	vmand vm8, vm7;
	v22 =	vsel vm6, $0xFFFFFFFF, v0  }
0xe6: {  	vm5 =	vmand vm5, vm0;
	v23 =	vsel vm7, $0x1, v0;
	v22 =	vadd.s32 v22, v18  }
0xe7: {  	v22 =	vnsel vm5, $0x0, v22;
	v18 =	vadd.s32 v23, v18  }
0xe8: {  	v18 =	vnsel vm5, $0x0, v18;
	_ =	sdelay $0x3  }
0xe9: {  	v22 =	vld.idx.msk [tilespmem:v22+s22+$0x0], $0xffff  }
0xea: {  	v18 =	vld.idx.msk [tilespmem:v18+s23+$0x0], $0xffff;
	_ =	sdelay $0x4  }
0xeb: {  	v18 =	vsub.s32 v18, v22  }
0xec: {  	v27 =	vnsel vm5, $0x0, v18  }
0xed: {  	(xrf0) =	vadd.scan.msk.s32 $0xffff, v27;
	_ =	sdelay $0x5  }
0xee: {  	v34, _, _ =	vpop (xrf0)  }
0xef: {  	v18 =	vxor.u32 $0x80000000, v34  }
0xf0: {  	(xrf0) =	vmax.scan.msk.u32 $0xffff, v18;
	_ =	sdelay $0x5  }
0xf1: {  	v18, _, _ =	vpop (xrf0)  }
0xf2: {  	(v2sf) =	vpush v18, $0xF;
	_ =	sdelay $0xe  }
0xf3: {  	s0 =	spop (v2sf)  }
0xf4: {  	s0 =	sadd.s32 $0x8000001F, s0  }
0xf5: {  	s2 =	sand.u32 $0x1F, s0  }
0xf6: {  	s31 =	sshra.s32 s0, $0x1F;
	p1 =	slt.s32 s0, $0x1;
	p0 =	sne.s32 s2, $0x0  }
0xf7: {  	s2 =	sshrl.u32 s31, $0x1B;
	p0 =	por !p1, !p0  }
0xf8: {  	s0 =	sadd.s32 s2, s0;
	s2 =	simm.s32 $0x1;
	p0 =	por !p0, !p0  }
0xf9: {  	s0 =	sshra.s32 s0, $0x5;
	s2 =	simm.s32 @!p0 $0x0  }
0xfa: {  	s0 =	ssub.s32 s0, s2  }
0xfb: {  	p0 =	slt.s32 s0, $0x1  }
.Ltmp8:
0xfc: {  	_ = 	snop;
	(pc) =	sbr.rel @p0 .LBB2_19-.Ltmp8, $2  }
0xfd: {  	_ =	sdelay $0x2  }
0xfe: {  	v18 =	vimm.s32 $0x0  }
0xff: {  	v33 =	vperm.xlane v34, v18;
	v32 =	vperm.xlane v34, v1  }
0x100: {  	v30 =	vperm.xlane v34, v6;
	v28 =	vperm.xlane v34, v7  }
0x101: {  	v31 =	vperm.xlane v34, v8;
	v26 =	vperm.xlane v34, v9;
	s30 =	simm.s32 $0x0  }
0x102: {  	v25 =	vperm.xlane v34, v10;
	v24 =	vperm.xlane v34, v11;
	v35 =	vor.u32 s30, v3  }
0x103: {  	v23 =	vperm.xlane v34, v12;
	vm5 =	vle.s32 v33, v35;
	vm6 =	vle.s32 v32, v35  }
0x104: {  	v29 =	vsel vm5, $0x1, v0;
	v36 =	vsel vm6, $0x1, v0;
	vm5 =	vle.s32 v30, v35  }
0x105: {  	v29 =	vadd.s32 v36, v29;
	v57 =	vsel vm5, $0x1, v0;
	vm5 =	vle.s32 v28, v35  }
0x106: {  	v29 =	vadd.s32 v57, v29;
	v58 =	vsel vm5, $0x1, v0;
	vm5 =	vle.s32 v31, v35  }
0x107: {  	v29 =	vadd.s32 v58, v29;
	v59 =	vsel vm5, $0x1, v0;
	vm5 =	vle.s32 v26, v35  }
0x108: {  	v29 =	vadd.s32 v59, v29;
	v60 =	vsel vm5, $0x1, v0;
	vm5 =	vle.s32 v25, v35  }
0x109: {  	v29 =	vadd.s32 v60, v29;
	v61 =	vsel vm5, $0x1, v0;
	vm5 =	vle.s32 v24, v35  }
0x10a: {  	p2 =	sne.s32 s0, $0x1;
	vm6 =	vle.s32 v23, v35;
	v29 =	vadd.s32 v61, v29;
	v62 =	vsel vm5, $0x1, v0  }
.Ltmp9:
0x10b: {  	v63 =	vsel vm6, $0x1, v0;
	v29 =	vadd.s32 v62, v29;
	(pc) =	sbr.rel @!p2 .LBB2_12-.Ltmp9, $3  }
0x10c: {  	v42 =	vadd.s32 v63, v29  }
0x10d: {  	v36 =	vperm.xlane v22, v42;
	_ =	sdelay $0x1  }
0x10e: {  	s0 =	sadd.s32 $0xFFFFFFFF, s0;
	p0 =	por $0x0, $0x0;
	p1 =	por $0x0, $0x0;
	v29 =	vsub.s32 v34, v27;
	v27 =	vperm.xlane v34, v2;
	v36 =	vadd.s32 v35, v36  }
0x10f: {  	v34 =	vor.u32 s30, v14  }
0x110: {  	vm5 =	vlt.s32 v35, v27;
	vm6 =	vle.s32 v33, v34;
	vm7 =	vle.s32 v32, v34  }
0x111: {  	v48 =	vsel vm6, $0x1, v0;
	v38 =	vsel vm7, $0x1, v0;
	vm6 =	vle.s32 v30, v34  }
0x112: {  	v35 =	vadd.s32 v38, v48;
	v49 =	vsel vm6, $0x1, v0;
	vm6 =	vle.s32 v28, v34  }
0x113: {  	vm7 =	vle.s32 v31, v34;
	v35 =	vadd.s32 v49, v35;
	v50 =	vsel vm6, $0x1, v0  }
0x114: {  	v51 =	vsel vm7, $0x1, v0;
	vm6 =	vle.s32 v26, v34;
	v35 =	vadd.s32 v50, v35  }
0x115: {  	v52 =	vsel vm6, $0x1, v0;
	vm6 =	vle.s32 v25, v34;
	v35 =	vadd.s32 v51, v35  }
0x116: {  	v53 =	vsel vm6, $0x1, v0;
	vm6 =	vle.s32 v24, v34;
	v35 =	vadd.s32 v52, v35  }
0x117: {  	s30 =	simm.s32 $0x20;
	v54 =	vsel vm6, $0x1, v0;
	vm6 =	vle.s32 v23, v34;
	v35 =	vadd.s32 v53, v35  }
0x118: {  	v39 =	vsel vm6, $0x1, v0;
	v38 =	vadd.s32 v54, v35;
	v35 =	vor.u32 s30, v3  }
0x119: {  	v38 =	vadd.s32 v39, v38;
	vm6 =	vle.s32 v33, v35;
	vm7 =	vle.s32 v32, v35  }
0x11a: {  	v55 =	vsel vm6, $0x1, v0;
	v40 =	vsel vm7, $0x1, v0;
	vm6 =	vle.s32 v30, v35  }
0x11b: {  	v39 =	vadd.s32 v40, v55;
	v56 =	vsel vm6, $0x1, v0;
	vm6 =	vle.s32 v28, v35  }
0x11c: {  	v39 =	vadd.s32 v56, v39;
	v57 =	vsel vm6, $0x1, v0;
	vm6 =	vle.s32 v31, v35  }
0x11d: {  	v39 =	vadd.s32 v57, v39;
	v58 =	vsel vm6, $0x1, v0;
	vm6 =	vle.s32 v26, v35  }
0x11e: {  	v39 =	vadd.s32 v58, v39;
	v59 =	vsel vm6, $0x1, v0;
	vm6 =	vle.s32 v25, v35  }
0x11f: {  	v39 =	vadd.s32 v59, v39;
	v60 =	vsel vm6, $0x1, v0;
	vm6 =	vle.s32 v24, v35  }
0x120: {  	p2 =	sne.s32 s0, $0x1;
	vm7 =	vle.s32 v23, v35;
	v39 =	vadd.s32 v60, v39;
	v61 =	vsel vm6, $0x1, v0  }
.Ltmp10:
0x121: {  	v62 =	vperm.xlane v22, v38;
	v41 =	vsel vm7, $0x1, v0;
	v39 =	vadd.s32 v61, v39;
	(pc) =	sbr.rel @!p2 .LBB2_14-.Ltmp10, $4  }
0x122: {  	v37 =	vperm.xlane v29, v42;
	v38 =	vperm.xlane v29, v38;
	v42 =	vadd.s32 v41, v39  }
0x123: {  	v63 =	vadd.s32 v34, v62;
	v41 =	vperm.xlane v22, v42  }
0x124: {  	v36 =	vsub.s32 v36, v37;
	v40 =	vsub.s32 v63, v38  }
0x125: {  	s0 =	sadd.s32 $0xFFFFFFFF, s0;
	p0 =	por $0x1, $0x1;
	v39 =	vnsel vm5, $0x0, v36;
	vm5 =	vmmov vm5;
	v36 =	vadd.s32 v35, v41  }
0x126: {  	vm6 =	vlt.s32 v34, v27  }
0x127: {  	v41 =	vperm.xlane v29, v42;
	vm8 =	vlt.s32 v35, v27;
	v34 =	vor.u32 s30, v14  }
0x128: {  	v63 =	vnsel vm6, $0x0, v40;
	vm7 =	vle.s32 v33, v34;
	vm9 =	vle.s32 v32, v34  }
0x129: {  	v37 =	vsel vm7, $0x1, v0;
	v38 =	vsel vm9, $0x1, v0;
	vm7 =	vle.s32 v30, v34  }
0x12a: {  	v37 =	vadd.s32 v38, v37;
	v44 =	vsel vm7, $0x1, v0;
	vm7 =	vle.s32 v28, v34  }
0x12b: {  	s30 =	simm.s32 $0x40;
	vm13 =	vle.s32 v31, v34;
	v37 =	vadd.s32 v44, v37;
	v45 =	vsel vm7, $0x1, v0  }
0x12c: {  	v35 =	vor.u32 s30, v3;
	v46 =	vsel vm13, $0x1, v0;
	v37 =	vadd.s32 v45, v37  }
0x12d: {  	v50 =	vsub.s32 v36, v41;
	vm7 =	vle.s32 v26, v34;
	v38 =	vadd.s32 v46, v37;
	v37 =	vld.idx.msk [tilespmem:v39+s21+$0x0], $0xffff  }
0x12e: {  	vm14 =	vle.s32 v32, v35;
	v47 =	vsel vm7, $0x1, v0;
	vm7 =	vle.s32 v25, v34  }
0x12f: {  	v48 =	vsel vm7, $0x1, v0;
	vm7 =	vle.s32 v24, v34;
	v38 =	vadd.s32 v47, v38  }
0x130: {  	v49 =	vsel vm7, $0x1, v0;
	vm7 =	vle.s32 v23, v34;
	v39 =	vadd.s32 v48, v38;
	v38 =	vld.idx.msk [tilespmem:v63+s21+$0x0], $0xffff  }
0x131: {  	vm15 =	vle.s32 v23, v35;
	v54 =	vsel vm14, $0x1, v0;
	v52 =	vsel vm7, $0x1, v0  }
0x132: {  	vm7 =	vmmov vm5;
	vm5 =	vmmov vm8;
	v51 =	vadd.s32 v49, v39  }
0x133: {  	v39 =	vnsel vm8, $0x0, v50;
	vm8 =	vle.s32 v33, v35;
	v36 =	vadd.s32 v52, v51  }
0x134: {  	v53 =	vsel vm8, $0x1, v0;
	vm8 =	vle.s32 v30, v35;
	v40 =	vperm.xlane v22, v36  }
0x135: {  	v41 =	vadd.s32 v54, v53;
	v55 =	vsel vm8, $0x1, v0;
	vm8 =	vle.s32 v28, v35;
	v43 =	vld.idx.msk [tilespmem:v37+s1+$0x0], $0xffff  }
0x136: {  	v41 =	vadd.s32 v55, v41;
	v56 =	vsel vm8, $0x1, v0;
	vm8 =	vle.s32 v31, v35;
	v44 =	vld.idx.msk [tilespmem:v37+s12+$0x0], $0xffff  }
0x137: {  	v41 =	vadd.s32 v56, v41;
	v57 =	vsel vm8, $0x1, v0;
	vm8 =	vle.s32 v26, v35;
	v47 =	vld.idx.msk [tilespmem:v37+s13+$0x0], $0xffff  }
0x138: {  	v41 =	vadd.s32 v57, v41;
	v58 =	vsel vm8, $0x1, v0;
	vm8 =	vle.s32 v25, v35;
	v45 =	vld.idx.msk [tilespmem:v38+s1+$0x0], $0xffff  }
0x139: {  	v41 =	vadd.s32 v58, v41;
	v59 =	vsel vm8, $0x1, v0;
	vm8 =	vle.s32 v24, v35;
	v46 =	vld.idx.msk [tilespmem:v38+s12+$0x0], $0xffff  }
0x13a: {  	v36 =	vperm.xlane v29, v36;
	v41 =	vadd.s32 v59, v41;
	v60 =	vsel vm8, $0x1, v0  }
0x13b: {  	p2 =	sne.s32 s0, $0x1;
	v61 =	vsel vm15, $0x1, v0;
	v40 =	vadd.s32 v34, v40;
	v48 =	vld.idx.msk [tilespmem:v38+s13+$0x0], $0xffff;
	v41 =	vadd.s32 v60, v41  }
.Ltmp11:
0x13c: {  	v40 =	vsub.s32 v40, v36;
	v42 =	vadd.s32 v61, v41;
	v62 =	vsub.f32 v44, v21;
	(pc) =	sbr.rel @!p2 .LBB2_16-.Ltmp11, $4  }
0x13d: {  	v63 =	vsub.f32 v43, v20;
	v50 =	vperm.xlane v22, v42;
	v44 =	vsub.f32 v47, v19  }
0x13e: {  	v41 =	vimm.s32 $0x0;
	v49 =	vsub.f32 v45, v20;
	v51 =	vsub.f32 v46, v21  }
0x13f: {  	v43 =	vmul.f32 v62, v62;
	v45 =	vmul.f32 v63, v63;
	v36 =	vadd.s32 v35, v50  }
0x140: {  	s31 =	sadd.s32 $0xFFFFFFFF, s0;
	p1 =	por $0x1, $0x1;
	v47 =	vsub.f32 v48, v19;
	v46 =	vmul.f32 v49, v49;
	v48 =	vmul.f32 v51, v51  }
.LBB2_17:
0x141: {  	p2 =	sne.s32 s31, $0x1;
	s31 =	sadd.s32 $0xFFFFFFFF, s31;
	v43 =	vadd.f32 v43, v45;
	v44 =	vmul.f32 v44, v44  }
0x142: {  	v45 =	vadd.f32 v48, v46;
	v46 =	vmul.f32 v47, v47  }
0x143: {  	v43 =	vadd.f32 v44, v43  }
0x144: {  	v42 =	vperm.xlane v29, v42;
	v44 =	vadd.f32 v46, v45  }
0x145: {  	vm10 =	vlt.s32 v35, v27;
	vm8 =	vlt.f32 v43, $9.999999770e-03  }
0x146: {  	v35 =	vsub.s32 v36, v42;
	vm8 =	vmand vm7, vm8;
	vm7 =	vlt.f32 v44, $9.999999770e-03  }
0x147: {  	v35 =	vnsel vm10, $0x0, v35;
	vm9 =	vmand vm6, vm7;
	v36 =	vsel vm8, $0x1, v0  }
0x148: {  	v42 =	vmpcnt.ones.xlane vm8;
	vm7 =	vmmov vm5;
	v43 =	vsel vm9, $0x1, v0;
	(xrf0) =	vadd.scan.msk.s32 $0xffff, v36  }
0x149: {  	vm5 =	vmmov vm10;
	(xrf0) =	vadd.scan.msk.s32 $0xffff, v43;
	_ =	sdelay $0x1  }
0x14a: {  	vm6 =	vlt.s32 v34, v27  }
0x14b: {  	v36 =	vnsel vm6, $0x0, v40  }
0x14c: {  	v34 =	vor.u32 s30, v14;
	v40 =	vadd.s32 v41, v42;
	v42 =	vmpcnt.ones.xlane vm9  }
0x14d: {  	vm10 =	vle.s32 v33, v34;
	vm11 =	vle.s32 v32, v34;
	vm12 =	vle.s32 v31, v34;
	v43, _, _ =	vpop (xrf0)  }
0x14e: {  	v44 =	vsel vm10, $0x1, v0;
	v45 =	vsel vm11, $0x1, v0;
	v41 =	vadd.s32 v43, v41;
	v43, _, _ =	vpop (xrf0)  }
0x14f: {  	vm10 =	vle.s32 v30, v34;
	v44 =	vadd.s32 v45, v44;
	v43 =	vadd.s32 v43, v40  }
0x150: {  	v45 =	vsel vm10, $0x1, v0;
	vm10 =	vle.s32 v28, v34;
	v41 =	vadd.s32 $0xFFFFFFFF, v41  }
0x151: {  	v44 =	vadd.s32 v45, v44;
	v45 =	vsel vm10, $0x1, v0;
	v43 =	vadd.s32 $0xFFFFFFFF, v43  }
0x152: {  	vm10 =	vle.s32 v26, v34;
	v44 =	vadd.s32 v45, v44;
	v45 =	vsel vm12, $0x1, v0  }
0x153: {  	v44 =	vadd.s32 v45, v44;
	v45 =	vsel vm10, $0x1, v0;
	vm10 =	vle.s32 v25, v34  }
0x154: {  	v44 =	vadd.s32 v45, v44;
	v45 =	vsel vm10, $0x1, v0;
	vm10 =	vle.s32 v24, v34  }
0x155: {  	v44 =	vadd.s32 v45, v44;
	v45 =	vsel vm10, $0x1, v0;
	vm10 =	vle.s32 v23, v34;
	[tilespmem:v41+s24+$0x0] =	vst.idx.msk vm8, v37  }
0x156: {  	v37 =	vadd.s32 v45, v44;
	v44 =	vsel vm10, $0x1, v0;
	v41 =	vadd.s32 v40, v42;
	[tilespmem:v43+s24+$0x0] =	vst.idx.msk vm9, v38  }
0x157: {  	v38 =	vadd.s32 v44, v37;
	v37 =	vld.idx.msk [tilespmem:v39+s21+$0x0], $0xffff;
	v39 =	vmov v35  }
0x158: {  	v35 =	vperm.xlane v22, v38  }
0x159: {  	v40 =	vperm.xlane v29, v38;
	v38 =	vld.idx.msk [tilespmem:v36+s21+$0x0], $0xffff  }
0x15a: {  	s30 =	sadd.s32 $0x20, s30;
	v36 =	vadd.s32 v34, v35  }
0x15b: {  	v35 =	vor.u32 s30, v3;
	v40 =	vsub.s32 v36, v40  }
0x15c: {  	vm8 =	vle.s32 v33, v35;
	vm9 =	vle.s32 v32, v35  }
0x15d: {  	v36 =	vsel vm8, $0x1, v0;
	v42 =	vsel vm9, $0x1, v0  }
0x15e: {  	vm8 =	vle.s32 v30, v35;
	v36 =	vadd.s32 v42, v36  }
0x15f: {  	v42 =	vsel vm8, $0x1, v0;
	vm8 =	vle.s32 v28, v35;
	v43 =	vld.idx.msk [tilespmem:v37+s1+$0x0], $0xffff  }
0x160: {  	v36 =	vadd.s32 v42, v36;
	v42 =	vsel vm8, $0x1, v0;
	v44 =	vld.idx.msk [tilespmem:v37+s12+$0x0], $0xffff  }
0x161: {  	vm8 =	vle.s32 v31, v35;
	v36 =	vadd.s32 v42, v36;
	v45 =	vld.idx.msk [tilespmem:v38+s1+$0x0], $0xffff  }
0x162: {  	vm9 =	vle.s32 v23, v35;
	v42 =	vsel vm8, $0x1, v0;
	vm8 =	vle.s32 v26, v35;
	v46 =	vld.idx.msk [tilespmem:v38+s12+$0x0], $0xffff  }
0x163: {  	v36 =	vadd.s32 v42, v36;
	v42 =	vsel vm8, $0x1, v0;
	vm8 =	vle.s32 v25, v35;
	v47 =	vld.idx.msk [tilespmem:v37+s13+$0x0], $0xffff  }
0x164: {  	v36 =	vadd.s32 v42, v36;
	v42 =	vsel vm8, $0x1, v0;
	vm8 =	vle.s32 v24, v35;
	v48 =	vld.idx.msk [tilespmem:v38+s13+$0x0], $0xffff  }
0x165: {  	v36 =	vadd.s32 v42, v36;
	v42 =	vsel vm8, $0x1, v0;
	v49 =	vsub.f32 v43, v20  }
.Ltmp12:
0x166: {  	v36 =	vadd.s32 v42, v36;
	v42 =	vsel vm9, $0x1, v0;
	v43 =	vsub.f32 v44, v21;
	(pc) =	sbr.rel @p2 .LBB2_17-.Ltmp12, $4  }
0x167: {  	v42 =	vadd.s32 v42, v36;
	v36 =	vsub.f32 v45, v20  }
0x168: {  	v50 =	vperm.xlane v22, v42;
	v43 =	vmul.f32 v43, v43;
	v51 =	vsub.f32 v46, v21  }
0x169: {  	v45 =	vmul.f32 v49, v49;
	v44 =	vsub.f32 v47, v19;
	v46 =	vmul.f32 v36, v36  }
0x16a: {  	v36 =	vadd.s32 v35, v50;
	v47 =	vsub.f32 v48, v19;
	v48 =	vmul.f32 v51, v51  }
.LBB2_18:
0x16b: {  	v43 =	vadd.f32 @p1 v43, v45;
	v44 =	vmul.f32 @p1 v44, v44  }
0x16c: {  	v45 =	vadd.f32 @p1 v48, v46;
	v46 =	vmul.f32 @p1 v47, v47  }
0x16d: {  	v43 =	vadd.f32 @p1 v44, v43  }
0x16e: {  	v44 =	vadd.f32 @p1 v46, v45  }
0x16f: {  	vm8 =	vlt.f32 @p1 v43, $9.999999770e-03  }
0x170: {  	vm7 =	vmand @p1 vm7, vm8;
	vm8 =	vlt.f32 @p1 v44, $9.999999770e-03  }
0x171: {  	vm8 =	vmand @p1 vm6, vm8;
	v43 =	vsel @p1 vm7, $0x1, v0  }
0x172: {  	v44 =	vsel @p1 vm8, $0x1, v0;
	(xrf0) =	vadd.scan.msk.s32 @p1 $0xffff, v43  }
0x173: {  	(xrf0) =	vadd.scan.msk.s32 @p1 $0xffff, v44;
	_ =	sdelay $0x3  }
0x174: {  	v43 =	vmpcnt.ones.xlane @p1 vm7  }
0x175: {  	v44, _, _ =	vpop @p1 (xrf0)  }
0x176: {  	v43 =	vadd.s32 @p1 v41, v43;
	v41 =	vadd.s32 @p1 v44, v41;
	v44, _, _ =	vpop @p1 (xrf0)  }
0x177: {  	v44 =	vadd.s32 @p1 v44, v43;
	v41 =	vadd.s32 @p1 $0xFFFFFFFF, v41  }
0x178: {  	v44 =	vadd.s32 @p1 $0xFFFFFFFF, v44;
	_ =	sdelay $0x1  }
0x179: {  	vm6 =	vlt.s32 @p0 v34, v27  }
0x17a: {  	v34 =	vnsel @p0 vm6, $0x0, v40  }
0x17b: {  	[tilespmem:v41+s24+$0x0] =	vst.idx.msk @p1 vm7, v37  }
0x17c: {  	[tilespmem:v44+s24+$0x0] =	vst.idx.msk @p1 vm8, v38  }
0x17d: {  	v37 =	vld.idx.msk @p0 [tilespmem:v39+s21+$0x0], $0xffff;
	_ =	sdelay $0x1  }
0x17e: {  	v34 =	vld.idx.msk @p0 [tilespmem:v34+s21+$0x0], $0xffff;
	_ =	sdelay $0x5  }
0x17f: {  	v38 =	vld.idx.msk @p0 [tilespmem:v37+s1+$0x0], $0xffff  }
0x180: {  	v39 =	vld.idx.msk @p0 [tilespmem:v37+s12+$0x0], $0xffff  }
0x181: {  	v40 =	vld.idx.msk @p0 [tilespmem:v34+s1+$0x0], $0xffff  }
0x182: {  	v41 =	vld.idx.msk @p0 [tilespmem:v34+s12+$0x0], $0xffff  }
0x183: {  	v46 =	vld.idx.msk @p0 [tilespmem:v34+s13+$0x0], $0xffff  }
0x184: {  	v44 =	vld.idx.msk @p0 [tilespmem:v37+s13+$0x0], $0xffff  }
0x185: {  	v42 =	vperm.xlane v29, v42;
	vm5 =	vmmov @p0 vm5;
	v60 =	vor.u32 s30, v14  }
0x186: {  	vm15 =	vle.s32 v32, v60;
	vm9 =	vle.s32 v31, v60;
	v38 =	vsub.f32 @p0 v38, v20  }
0x187: {  	vm7 =	vle.s32 v33, v60;
	v39 =	vsub.f32 @p0 v39, v21;
	v33 =	vsub.f32 @p0 v40, v20  }
0x188: {  	v40 =	vsub.f32 @p0 v41, v21;
	v41 =	vsub.f32 @p0 v46, v19;
	v38 =	vmul.f32 @p0 v38, v38  }
0x189: {  	v32 =	vmul.f32 @p0 v39, v39;
	v39 =	vsub.f32 @p0 v44, v19;
	v33 =	vmul.f32 @p0 v33, v33  }
0x18a: {  	v40 =	vmul.f32 @p0 v40, v40;
	v41 =	vpsel p0, v41, v0;
	v38 =	vpsel p0, v38, v0  }
0x18b: {  	v32 =	vpsel p0, v32, v0;
	v39 =	vpsel p0, v39, v0;
	v33 =	vpsel p0, v33, v0  }
0x18c: {  	v40 =	vpsel p0, v40, v0;
	v32 =	vadd.f32 @p0 v32, v38;
	v38 =	vmul.f32 @p0 v39, v39  }
0x18d: {  	vm5 =	vmmov @p0 vm5;
	v31 =	vadd.f32 @p0 v40, v33;
	v33 =	vmul.f32 @p0 v41, v41  }
0x18e: {  	vm12 =	vle.s32 v28, v60;
	vm13 =	vle.s32 v24, v60;
	v32 =	vadd.f32 @p0 v38, v32  }
0x18f: {  	v61 =	vsel vm7, $0x1, v0;
	vm7 =	vle.s32 v30, v60;
	v30 =	vadd.f32 @p0 v33, v31  }
0x190: {  	v62 =	vsel vm15, $0x1, v0;
	v39 =	vsel vm7, $0x1, v0;
	vm7 =	vlt.f32 @p0 v32, $9.999999770e-03  }
0x191: {  	vm6 =	vmmov @p0 vm6;
	vm7 =	vmand @p0 vm5, vm7;
	vm5 =	vlt.f32 @p0 v30, $9.999999770e-03  }
0x192: {  	v63 =	vadd.s32 v62, v61;
	vm5 =	vmand @p0 vm6, vm5;
	v28 =	vsel @p0 vm7, $0x1, v0  }
0x193: {  	v41 =	vsel vm12, $0x1, v0;
	v40 =	vadd.s32 v39, v63;
	v32 =	vsel @p0 vm5, $0x1, v0;
	(xrf0) =	vadd.scan.msk.s32 @p0 $0xffff, v28  }
0x194: {  	vm14 =	vle.s32 v23, v60;
	v46 =	vsel vm9, $0x1, v0;
	v44 =	vadd.s32 v41, v40;
	(xrf0) =	vadd.scan.msk.s32 @p0 $0xffff, v32  }
0x195: {  	v47 =	vmpcnt.ones.xlane @p1 vm8;
	v48 =	vadd.s32 v46, v44;
	vm6 =	vle.s32 v26, v60  }
0x196: {  	v26 =	vmpcnt.ones.xlane @p0 vm7;
	v49 =	vsel vm6, $0x1, v0;
	vm6 =	vle.s32 v25, v60  }
0x197: {  	v53 =	vsel vm13, $0x1, v0;
	v50 =	vadd.s32 v49, v48;
	v51 =	vsel vm6, $0x1, v0  }
0x198: {  	v54 =	vsel vm14, $0x1, v0;
	v23 =	vadd.s32 @p1 v43, v47;
	v52 =	vadd.s32 v51, v50  }
0x199: {  	v55 =	vsub.s32 v36, v42;
	v23 =	vpsel p1, v23, v18;
	v24 =	vadd.s32 v53, v52;
	v28, _, _ =	vpop @p0 (xrf0)  }
0x19a: {  	v25 =	vadd.s32 @p0 v23, v26;
	v24 =	vadd.s32 v54, v24;
	v23 =	vadd.s32 @p0 v28, v23;
	v26, _, _ =	vpop @p0 (xrf0)  }
0x19b: {  	v22 =	vperm.xlane v22, v24;
	v26 =	vadd.s32 @p0 v26, v25;
	v23 =	vadd.s32 @p0 $0xFFFFFFFF, v23  }
0x19c: {  	vm6 =	vlt.s32 v35, v27;
	v24 =	vperm.xlane v29, v24;
	v26 =	vadd.s32 @p0 $0xFFFFFFFF, v26  }
0x19d: {  	v28 =	vnsel vm6, $0x0, v55;
	v22 =	vadd.s32 v60, v22  }
0x19e: {  	vm15 =	vlt.s32 v60, v27;
	v22 =	vsub.s32 v22, v24  }
0x19f: {  	v24 =	vpsel p0, v37, v0;
	v22 =	vnsel vm15, $0x0, v22  }
0x1a0: {  	v27 =	vpsel p0, v34, v0;
	[tilespmem:v23+s24+$0x0] =	vst.idx.msk @p0 vm7, v24  }
0x1a1: {  	[tilespmem:v26+s24+$0x0] =	vst.idx.msk @p0 vm5, v27  }
0x1a2: {  	v23 =	vld.idx.msk [tilespmem:v28+s21+$0x0], $0xffff;
	_ =	sdelay $0x1  }
0x1a3: {  	v22 =	vld.idx.msk [tilespmem:v22+s21+$0x0], $0xffff;
	_ =	sdelay $0x5  }
0x1a4: {  	v24 =	vld.idx.msk [tilespmem:v23+s1+$0x0], $0xffff  }
0x1a5: {  	v26 =	vld.idx.msk [tilespmem:v23+s12+$0x0], $0xffff  }
0x1a6: {  	v27 =	vld.idx.msk [tilespmem:v22+s1+$0x0], $0xffff  }
0x1a7: {  	v56 =	vld.idx.msk [tilespmem:v22+s12+$0x0], $0xffff  }
0x1a8: {  	v57 =	vld.idx.msk [tilespmem:v23+s13+$0x0], $0xffff  }
0x1a9: {  	v58 =	vld.idx.msk [tilespmem:v22+s13+$0x0], $0xffff;
	_ =	sdelay $0x1  }
0x1aa: {  	v24 =	vsub.f32 v24, v20;
	v26 =	vsub.f32 v26, v21  }
0x1ab: {  	v20 =	vsub.f32 v27, v20;
	v59 =	vsub.f32 v56, v21  }
0x1ac: {  	v60 =	vsub.f32 v57, v19;
	v26 =	vmul.f32 v26, v26;
	v24 =	vmul.f32 v24, v24  }
0x1ad: {  	v19 =	vsub.f32 v58, v19;
	v20 =	vmul.f32 v20, v20;
	v21 =	vmul.f32 v59, v59  }
0x1ae: {  	v61 =	vmul.f32 v60, v60;
	v24 =	vadd.f32 v26, v24  }
0x1af: {  	v19 =	vmul.f32 v19, v19;
	v20 =	vadd.f32 v21, v20  }
0x1b0: {  	v62 =	vadd.f32 v61, v24  }
0x1b1: {  	vm6 =	vmmov vm6;
	v19 =	vadd.f32 v19, v20  }
0x1b2: {  	vm6 =	vmmov vm6;
	vm7 =	vlt.f32 v62, $9.999999770e-03  }
0x1b3: {  	vm6 =	vmand vm6, vm7;
	vm7 =	vlt.f32 v19, $9.999999770e-03  }
0x1b4: {  	vm7 =	vmand vm15, vm7;
	v19 =	vsel vm6, $0x1, v0  }
0x1b5: {  	v20 =	vsel vm7, $0x1, v0;
	(xrf0) =	vadd.scan.msk.s32 $0xffff, v19  }
0x1b6: {  	v19 =	vmpcnt.ones.xlane @p0 vm5;
	(xrf0) =	vadd.scan.msk.s32 $0xffff, v20;
	_ =	sdelay $0x1  }
0x1b7: {  	v19 =	vadd.s32 @p0 v25, v19;
	_ =	sdelay $0x1  }
0x1b8: {  	v20 =	vmpcnt.ones.xlane vm6  }
0x1b9: {  	v18 =	vpsel p0, v19, v18;
	v19, _, _ =	vpop (xrf0)  }
0x1ba: {  	v20 =	vadd.s32 v18, v20;
	v18 =	vadd.s32 v19, v18;
	v19, _, _ =	vpop (xrf0)  }
0x1bb: {  	v19 =	vadd.s32 v19, v20;
	v18 =	vadd.s32 $0xFFFFFFFF, v18  }
0x1bc: {  	v19 =	vadd.s32 $0xFFFFFFFF, v19;
	_ =	sdelay $0x2  }
0x1bd: {  	v63 =	vmpcnt.ones.xlane vm7  }
0x1be: {  	[tilespmem:v18+s24+$0x0] =	vst.idx.msk vm6, v23  }
0x1bf: {  	v18 =	vadd.s32 v20, v63;
	[tilespmem:v19+s24+$0x0] =	vst.idx.msk vm7, v22  }
.LBB2_19:
0x1c0: {  	v19 =	vxor.u32 $0x80000000, v18  }
0x1c1: {  	(xrf0) =	vmax.scan.msk.u32 $0xffff, v19;
	_ =	sdelay $0x5  }
0x1c2: {  	v19, _, _ =	vpop (xrf0)  }
0x1c3: {  	(v2sf) =	vpush v19, $0xF;
	_ =	sdelay $0x5  }
0x1c4: {  	v19 =	vld [tilespmem:$0x6180];
	_ =	sdelay $0x3  }
0x1c5: {  	vm5 =	vgt.s32 v18, v3  }
0x1c6: {  	v19 =	vnsel vm5, $0x1001, v19  }
0x1c7: {  	v20 =	vxor.u32 $0x80000000, v19  }
0x1c8: {  	(xrf1) =	vsort.ascd.msk.u32 $0xffff, v20, v19;
	_ =	sdelay $0x1  }
0x1c9: {  	s0 =	spop (v2sf)  }
0x1ca: {  	s0 =	sadd.s32 $0x8000000F, s0  }
0x1cb: {  	s2 =	sand.u32 $0xF, s0  }
0x1cc: {  	s31 =	sshra.s32 s0, $0x1F;
	p1 =	slt.s32 s0, $0x1;
	p0 =	sne.s32 s2, $0x0  }
0x1cd: {  	s2 =	sshrl.u32 s31, $0x1C;
	p0 =	por !p1, !p0  }
0x1ce: {  	s0 =	sadd.s32 s2, s0;
	s2 =	simm.s32 $0x1;
	p0 =	por !p0, !p0  }
0x1cf: {  	s0 =	sshra.s32 s0, $0x4;
	s2 =	simm.s32 @!p0 $0x0  }
0x1d0: {  	s2 =	ssub.s32 s0, s2  }
0x1d1: {  	p1 =	slt.s32 s2, $0x2  }
.Ltmp13:
0x1d2: {  	_ = 	snop;
	(pc) =	sbr.rel @p1 .LBB2_26-.Ltmp13, $3  }
0x1d3: {  	_ =	sdelay $0x1  }
0x1d4: {  	v19, _, _ =	vpop (xrf1)  }
0x1d5: {  	v20 =	vimm.s32 $0x1001;
	v19 =	vxor.u32 $0x80000000, v19  }
0x1d6: {  	s2 =	simm.s32 $0xFFFFFFFF  }
0x1d7: {  	s2 =	simm.s32 @!p0 $0x0  }
0x1d8: {  	s0 =	sadd.s32 s2, s0  }
0x1d9: {  	s0 =	sadd.s32 $0xFFFFFFFF, s0  }
0x1da: {  	p1 =	sne.s32 s0, $0x1  }
.Ltmp14:
0x1db: {  	_ = 	snop;
	(pc) =	sbr.rel @!p1 .LBB2_21-.Ltmp14, $3  }
0x1dc: {  	_ =	sdelay $0x1  }
0x1dd: {  	s31 =	simm.s32 $0x6190  }
0x1de: {  	v20 =	vimm.s32 $0x1001;
	s30 =	simm.s32 $0x10;
	v23 =	vld [tilespmem:s31+$0x0];
	p0 =	por $0x0, $0x0;
	s2 =	sadd.s32 $0xFFFFFFFF, s0  }
0x1df: {  	_ =	sdelay $0x1  }
0x1e0: {  	v21 =	vor.u32 s30, v3  }
0x1e1: {  	vm6 =	vlt.s32 v21, v18  }
0x1e2: {  	v21 =	vnsel vm6, $0x1001, v23  }
0x1e3: {  	v22 =	vxor.u32 $0x80000000, v21  }
0x1e4: {  	(xrf1) =	vsort.ascd.msk.u32 $0xffff, v22, v21;
	_ =	sdelay $0xc  }
0x1e5: {  	v21 =	vmul.u32 $0xFFFFFFFF, v3  }
0x1e6: {  	v22, _, _ =	vpop (xrf1)  }
0x1e7: {  	v21 =	vadd.s32 $0xF, v21;
	v22 =	vxor.u32 $0x80000000, v22  }
0x1e8: {  	v22 =	vperm.xlane v22, v21;
	_ =	sdelay $0x1  }
0x1e9: {  	vm6 =	vlt.s32 v20, v22  }
0x1ea: {  	v22 =	vsel vm6, v20, v22  }
0x1eb: {  	v23 =	vperm.xlane v22, v13;
	_ =	sdelay $0x1  }
0x1ec: {  	vm6 =	vlt.s32 v22, v23  }
0x1ed: {  	v24 =	vsel vm6, v22, v23;
	v22 =	vsel vm6, v23, v22  }
0x1ee: {  	v22 =	vsel vm3, v24, v22  }
0x1ef: {  	v23 =	vperm.xlane v22, v15;
	_ =	sdelay $0x1  }
0x1f0: {  	vm6 =	vlt.s32 v22, v23  }
0x1f1: {  	v24 =	vsel vm6, v22, v23;
	v22 =	vsel vm6, v23, v22  }
0x1f2: {  	v22 =	vsel vm1, v24, v22  }
0x1f3: {  	v23 =	vperm.xlane v22, v16;
	_ =	sdelay $0x1  }
0x1f4: {  	vm6 =	vlt.s32 v22, v23  }
0x1f5: {  	v24 =	vsel vm6, v22, v23;
	v22 =	vsel vm6, v23, v22  }
0x1f6: {  	v22 =	vsel vm2, v24, v22  }
0x1f7: {  	v23 =	vperm.xlane v22, v17  }
0x1f8: {  	p1 =	sne.s32 s2, $0x1  }
.Ltmp15:
0x1f9: {  	vm6 =	vlt.s32 v22, v23;
	(pc) =	sbr.rel @!p1 .LBB2_23-.Ltmp15, $4  }
0x1fa: {  	v24 =	vsel vm6, v22, v23;
	v22 =	vsel vm6, v23, v22  }
0x1fb: {  	s0 =	simm.s32 $0x61A0  }
0x1fc: {  	v23 =	vld [tilespmem:s0+$0x0]  }
0x1fd: {  	s2 =	sadd.s32 $0xFFFFFFFF, s2;
	p0 =	por $0x1, $0x1;
	s31 =	simm.s32 $0x10;
	v24 =	vsel vm4, v24, v22;
	v22 =	vmov v19  }
.LBB2_24:
0x1fe: {  	p1 =	sne.s32 s2, $0x1;
	v24 =	vperm.xlane v24, v21;
	s31 =	sadd.s32 $0x10, s31  }
0x1ff: {  	v25 =	vor.u32 s31, v3  }
0x200: {  	vm6 =	vlt.s32 v25, v18;
	vm7 =	vlt.s32 v22, v24  }
0x201: {  	v23 =	vnsel vm6, $0x1001, v23;
	v25 =	vsel vm7, v22, v24;
	v22 =	vsel vm7, v24, v22  }
0x202: {  	v24 =	vxor.u32 $0x80000000, v23;
	v26 =	vperm.xlane v25, v13;
	v27 =	vperm.xlane v22, v13  }
0x203: {  	(xrf1) =	vsort.ascd.msk.u32 $0xffff, v24, v23  }
0x204: {  	vm6 =	vlt.s32 v25, v26;
	vm7 =	vlt.s32 v22, v27  }
0x205: {  	v23 =	vsel vm6, v25, v26;
	v24 =	vsel vm7, v22, v27;
	v22 =	vsel vm7, v27, v22  }
0x206: {  	v25 =	vsel vm6, v26, v25;
	v22 =	vsel vm3, v24, v22  }
0x207: {  	v23 =	vsel vm3, v23, v25;
	v24 =	vperm.xlane v22, v15  }
0x208: {  	v25 =	vperm.xlane v23, v15  }
0x209: {  	vm6 =	vlt.s32 v22, v24  }
0x20a: {  	vm7 =	vlt.s32 v23, v25;
	v26 =	vsel vm6, v22, v24;
	v22 =	vsel vm6, v24, v22  }
0x20b: {  	v24 =	vsel vm7, v23, v25;
	v23 =	vsel vm7, v25, v23;
	v22 =	vsel vm1, v26, v22  }
0x20c: {  	v23 =	vsel vm1, v24, v23;
	v24 =	vperm.xlane v22, v16  }
0x20d: {  	v25 =	vperm.xlane v23, v16  }
0x20e: {  	vm6 =	vlt.s32 v22, v24  }
0x20f: {  	vm7 =	vlt.s32 v23, v25;
	v26 =	vsel vm6, v22, v24;
	v22 =	vsel vm6, v24, v22  }
0x210: {  	v24 =	vsel vm7, v23, v25;
	v23 =	vsel vm7, v25, v23;
	v22 =	vsel vm2, v26, v22  }
0x211: {  	v23 =	vsel vm2, v24, v23;
	v25, _, _ =	vpop (xrf1);
	v24 =	vperm.xlane v22, v17  }
0x212: {  	v26 =	vperm.xlane v23, v17;
	v25 =	vxor.u32 $0x80000000, v25  }
0x213: {  	v25 =	vperm.xlane v25, v21;
	vm6 =	vlt.s32 v22, v24  }
0x214: {  	vm7 =	vlt.s32 v23, v26;
	v27 =	vsel vm6, v22, v24;
	v22 =	vsel vm6, v24, v22  }
0x215: {  	v24 =	vsel vm7, v23, v26;
	v23 =	vsel vm7, v26, v23;
	v26 =	vsel vm4, v27, v22  }
0x216: {  	v22 =	vsel vm4, v24, v23;
	vm6 =	vlt.s32 v26, v25  }
0x217: {  	v23 =	vsel vm6, v26, v25  }
0x218: {  	v24 =	vperm.xlane v23, v13;
	_ =	sdelay $0x1  }
0x219: {  	vm6 =	vlt.s32 v23, v24  }
0x21a: {  	v25 =	vsel vm6, v23, v24;
	v23 =	vsel vm6, v24, v23  }
0x21b: {  	v23 =	vsel vm3, v25, v23  }
0x21c: {  	v24 =	vperm.xlane v23, v15;
	_ =	sdelay $0x1  }
0x21d: {  	vm6 =	vlt.s32 v23, v24  }
0x21e: {  	v25 =	vsel vm6, v23, v24;
	v23 =	vsel vm6, v24, v23  }
0x21f: {  	v23 =	vsel vm1, v25, v23  }
0x220: {  	v24 =	vperm.xlane v23, v16;
	_ =	sdelay $0x1  }
0x221: {  	vm6 =	vlt.s32 v23, v24  }
0x222: {  	v25 =	vsel vm6, v23, v24;
	v23 =	vsel vm6, v24, v23  }
0x223: {  	v24 =	vsel vm2, v25, v23  }
.Ltmp16:
0x224: {  	v25 =	vperm.xlane v24, v17;
	(pc) =	sbr.rel @p1 .LBB2_24-.Ltmp16, $4  }
0x225: {  	_ = 	snop  }
0x226: {  	s0 =	sadd.s32 $0x10, s0;
	vm6 =	vlt.s32 v24, v25  }
0x227: {  	v23 =	vld [tilespmem:s0+$0x0];
	v26 =	vsel vm6, v24, v25;
	v24 =	vsel vm6, v25, v24  }
0x228: {  	s2 =	sadd.s32 $0xFFFFFFFF, s2;
	v24 =	vsel vm4, v26, v24  }
.Ltmp17:
0x229: {  	_ = 	snop;
	(pc) =	sbr.rel .LBB2_25-.Ltmp17, $1  }
0x22a: {  	_ =	sdelay $0x3  }
.LBB2_12:
.Ltmp18:
0x22b: {  	(pc) =	sbr.rel .LBB2_18-.Ltmp18, $2  }
0x22c: {  	_ =	sdelay $0x2  }
0x22d: {  	v41 =	vimm.s32 $0x0  }
.LBB2_14:
.Ltmp19:
0x22e: {  	(pc) =	sbr.rel .LBB2_18-.Ltmp19, $2  }
0x22f: {  	_ =	sdelay $0x2  }
0x230: {  	v41 =	vimm.s32 $0x0  }
.LBB2_16:
.Ltmp20:
0x231: {  	(pc) =	sbr.rel .LBB2_18-.Ltmp20, $2  }
0x232: {  	_ =	sdelay $0x2  }
0x233: {  	v41 =	vimm.s32 $0x0  }
.LBB2_23:
.Ltmp21:
0x234: {  	(pc) =	sbr.rel .LBB2_25-.Ltmp21, $2  }
0x235: {  	_ =	sdelay $0x2  }
0x236: {  	s31 =	simm.s32 $0x10;
	v22 =	vmov v19  }
.LBB2_28:
0x237: {  	_ =	sfence.sel $0x180000  }
0x238: {  	[bflag:$0x0] =	sbarrier.arrive $0xFFFF  }
0x239: {  	_ =	strace $0x90000047  }
0x23a: {  	s0 =	stileid.u32;
	[bflag:$0x2] =	sbarrier.arrive $0xFFFF  }
0x23b: {  	p0 =	sne.s32 s0, $0x0;
	s0 =	rddreg [dreg:$0x8]  }
0x23c: {  	s0 =	sadd.s32 @!p0 $0x100000, s0  }
0x23d: {  	[sflag:s0] =	ssyncadd.tile.s32 @!p0 $0x1;
	_ =	shalt  }
.Lfunc_end2:
_tile_overlayer_lowered:
.L_overlay_start_2:
0x23e: {  	(tag) =	ssettag $0x2  }
0x23f: {  	s0 =	rddreg [dreg:$0x0];
	s2 =	stileid.u32  }
0x240: {  	s1 =	rddreg [dreg:$0x1];
	p0 =	sne.s32 s2, $0x0  }
0x241: {  	s3 =	rddreg [dreg:$0x2];
	[bflag:$0x3] =	sbarrier.arrive $0xFFFF;
	s2 =	simm.s32 @!p0 $0x1C02  }
0x242: {  	[timem:s3], [sflag:s2] =	dma.local @!p0 [hbm:s0], s1  }
0x243: {  	s0 =	simm.s32 @!p0 $0x2  }
0x244: {  	_ =	swait.ge @!p0 [sflag:s0], s1  }
0x245: {  	s1 =	ssub.s32 @!p0 $0x0, s1;
	[sflag:s0] =	ssyncset.done @!p0 $0x0  }
0x246: {  	[sflag:s0] =	ssyncadd.s32 @!p0 s1  }
0x247: {  	[bflag:$0x3] =	sbarrier.arrive $0xFFFF  }
0x248: {  	_ =	shalt  }

</sc_bundles>
